<compile_context>
chip_gen: v7x
topology: tpu7x:2x2x1
jax: 0.10.2.dev20260603
libtpu: 0.0.44.dev20260713+nightly
codegen_flags: <defaults>
</compile_context>

<pallas_src>
import dataclasses
import functools

import jax
import jax.numpy as jnp
from jax import lax
from jax.experimental import pallas as pl
from jax.experimental.pallas import tpu as pltpu
from jax.experimental.pallas import tpu_sc as plsc

N = 10000
E = 160000
D_IN = 256
D_HID = 256
D_OUT = 128
G = 64

NC = 2
NS = 16
L = 16
W = 128
NPAD = 10240
RPS = NPAD // NS
E1 = 163840
WIN1 = E1 // (NS * W)
WIN2 = E1 // (NC * NS * W)
IC = 8
NCH1 = WIN1 // IC
NCH2 = WIN2 // IC

_f32 = jnp.float32
_MESH = plsc.VectorSubcoreMesh(core_axis_name="c", subcore_axis_name="s")

_SC_CP = pltpu.CompilerParams()
if "needs_layout_passes" in pltpu.CompilerParams.__dataclass_fields__:
  _SC_CP = dataclasses.replace(_SC_CP, needs_layout_passes=False)


def _sc_agg1(featLR, srcw, dstw, zrows):

  @functools.partial(
      pl.kernel,
      mesh=_MESH,
      out_type=jax.ShapeDtypeStruct((2 * NPAD, 128), _f32),
      scratch_types=[
          pltpu.VMEM_SHARED((NPAD, 128), _f32),
          pltpu.VMEM((IC, W), jnp.int32),
          pltpu.VMEM((IC, W), jnp.int32),
          pltpu.VMEM((W, 128), _f32),
          pltpu.VMEM((W, 128), _f32),
          pltpu.SemaphoreType.DMA,
      ],
  )
  def k(featLR_hbm, srcw_hbm, dstw_hbm, z_hbm,
        sums_hbm,
        acc, src_v, dst_v, buf0, buf1, sem):
    c = lax.axis_index("c")
    s = lax.axis_index("s")
    sl = pl.ds(s * RPS, RPS)
    pltpu.sync_copy(z_hbm, acc.at[sl])
    plsc.subcore_barrier()

    def fire(j, buf):
      pltpu.async_copy(featLR_hbm.at[src_v.at[j]], buf, sem)

    def wait(buf):
      pltpu.make_async_copy(featLR_hbm.at[src_v.at[0]], buf, sem).wait()

    @pl.loop(0, NCH1)
    def _(ci):
      pltpu.sync_copy(srcw_hbm.at[c, s, ci], src_v)
      pltpu.sync_copy(dstw_hbm.at[s, ci], dst_v)
      fire(0, buf0)

      @pl.loop(0, IC, step=2)
      def _(j):
        wait(buf0)
        fire(j + 1, buf1)
        pltpu.sync_copy(buf0, acc.at[dst_v.at[j]], add=True)
        wait(buf1)

        @pl.when(j + 2 < IC)
        def _():
          fire(j + 2, buf0)

        pltpu.sync_copy(buf1, acc.at[dst_v.at[j + 1]], add=True)

    plsc.subcore_barrier()
    pltpu.sync_copy(acc.at[sl], sums_hbm.at[pl.ds(c * NPAD + s * RPS, RPS)])

  return k(featLR, srcw, dstw, zrows)


def _sc_counts(dstw, zcnt):

  @functools.partial(
      pl.kernel,
      mesh=_MESH,
      out_type=jax.ShapeDtypeStruct((NC * NS, NPAD), _f32),
      scratch_types=[
          pltpu.VMEM((IC, W), jnp.int32),
          pltpu.VMEM((NPAD,), _f32),
      ],
      compiler_params=_SC_CP,
  )
  def k(dstw_hbm, zc_hbm, cnt_hbm, dst_v, cbuf):
    c = lax.axis_index("c")
    s = lax.axis_index("s")
    wid = s * NC + c
    pltpu.sync_copy(zc_hbm, cbuf)
    one16 = jnp.ones((L,), _f32)

    @pl.loop(0, NCH2)
    def _(ci):
      pltpu.sync_copy(dstw_hbm.at[wid, ci], dst_v)

      @pl.loop(0, IC)
      def _(j):
        @pl.loop(0, W // L)
        def _(kk):
          idx = dst_v[j, pl.ds(kk * L, L)]
          plsc.addupdate_scatter(cbuf, [idx], one16)

    pltpu.sync_copy(cbuf, cnt_hbm.at[wid])

  return k(dstw, zcnt)


def _sc_agg2(p2, srcw, dstw, zrows):

  @functools.partial(
      pl.kernel,
      mesh=_MESH,
      out_type=jax.ShapeDtypeStruct((2 * NPAD, 128), _f32),
      scratch_types=[
          pltpu.VMEM_SHARED((NPAD, 128), _f32),
          pltpu.VMEM((IC, W), jnp.int32),
          pltpu.VMEM((IC, W), jnp.int32),
          pltpu.VMEM((W, 128), _f32),
          pltpu.VMEM((W, 128), _f32),
          pltpu.SemaphoreType.DMA,
      ],
  )
  def k(p2_hbm, srcw_hbm, dstw_hbm, z_hbm,
        sums_hbm,
        acc, src_v, dst_v, buf0, buf1, sem):
    c = lax.axis_index("c")
    s = lax.axis_index("s")
    wid = s * NC + c
    sl = pl.ds(s * RPS, RPS)
    pltpu.sync_copy(z_hbm, acc.at[sl])
    plsc.subcore_barrier()

    def fire(j, buf):
      pltpu.async_copy(p2_hbm.at[src_v.at[j]], buf, sem)

    def wait(buf):
      pltpu.make_async_copy(p2_hbm.at[src_v.at[0]], buf, sem).wait()

    @pl.loop(0, NCH2)
    def _(ci):
      pltpu.sync_copy(srcw_hbm.at[wid, ci], src_v)
      pltpu.sync_copy(dstw_hbm.at[wid, ci], dst_v)
      fire(0, buf0)

      @pl.loop(0, IC, step=2)
      def _(j):
        wait(buf0)
        fire(j + 1, buf1)
        pltpu.sync_copy(buf0, acc.at[dst_v.at[j]], add=True)
        wait(buf1)

        @pl.when(j + 2 < IC)
        def _():
          fire(j + 2, buf0)

        pltpu.sync_copy(buf1, acc.at[dst_v.at[j + 1]], add=True)

    plsc.subcore_barrier()
    pltpu.sync_copy(acc.at[sl], sums_hbm.at[pl.ds(c * NPAD + s * RPS, RPS)])

  return k(p2, srcw, dstw, zrows)


_R1 = 1024


def _tc_dense1(sums1, cntT, feat, w1lT, w1rT, b1, w2lT, w2rT, b2):

  def body(sumL_ref, sumR_ref, cntT_ref, feat_ref, w1lT_ref, w1rT_ref, b1_ref,
           w2lT_ref, w2rT_ref, b2_ref, p2_ref, hr_ref):
    cnt = jnp.sum(cntT_ref[...], axis=1, keepdims=True)
    rc = 1.0 / jnp.maximum(cnt, 1.0)
    h = (jnp.dot(sumL_ref[...] * rc, w1lT_ref[0:128, :],
                 preferred_element_type=_f32)
         + jnp.dot(sumR_ref[...] * rc, w1lT_ref[128:256, :],
                   preferred_element_type=_f32)
         + jnp.dot(feat_ref[...], w1rT_ref[...], preferred_element_type=_f32)
         + b1_ref[...])
    nrm = jnp.sqrt(jnp.sum(h * h, axis=1, keepdims=True))
    h = h / jnp.maximum(nrm, 1e-12)
    h = jnp.maximum(h, 0.0)
    p2_ref[...] = jnp.dot(h, w2lT_ref[...], preferred_element_type=_f32)
    hr_ref[...] = (jnp.dot(h, w2rT_ref[...], preferred_element_type=_f32)
                   + b2_ref[...])

  grid = (NPAD // _R1,)
  row = lambda i: (i, 0)
  full = lambda i: (0, 0)
  return pl.pallas_call(
      body,
      grid=grid,
      in_specs=[
          pl.BlockSpec((_R1, 128), row),
          pl.BlockSpec((_R1, 128), lambda i: (i + NPAD // _R1, 0)),
          pl.BlockSpec((_R1, NC * NS), row),
          pl.BlockSpec((_R1, D_IN), row),
          pl.BlockSpec((D_IN, D_HID), full),
          pl.BlockSpec((D_IN, D_HID), full),
          pl.BlockSpec((1, D_HID), full),
          pl.BlockSpec((D_HID, D_OUT), full),
          pl.BlockSpec((D_HID, D_OUT), full),
          pl.BlockSpec((1, D_OUT), full),
      ],
      out_specs=[
          pl.BlockSpec((_R1, D_OUT), row),
          pl.BlockSpec((_R1, D_OUT), row),
      ],
      out_shape=[
          jax.ShapeDtypeStruct((NPAD, D_OUT), _f32),
          jax.ShapeDtypeStruct((NPAD, D_OUT), _f32),
      ],
  )(sums1, sums1, cntT, feat, w1lT, w1rT, b1, w2lT, w2rT, b2)


def _tc_dense2(sums2, cntT, hr, batchf, fcWT, fcb):
  steps = NPAD // _R1

  def body(s2a_ref, s2b_ref, cntT_ref, hr_ref, batch_ref, fcWT_ref, fcb_ref,
           out_ref, psum, pcnt):
    i = pl.program_id(0)

    @pl.when(i == 0)
    def _():
      psum[...] = jnp.zeros_like(psum)
      pcnt[...] = jnp.zeros_like(pcnt)

    cnt = jnp.sum(cntT_ref[...], axis=1, keepdims=True)
    rc = 1.0 / jnp.maximum(cnt, 1.0)
    h2 = (s2a_ref[...] + s2b_ref[...]) * rc + hr_ref[...]
    nrm = jnp.sqrt(jnp.sum(h2 * h2, axis=1, keepdims=True))
    h2 = h2 / jnp.maximum(nrm, 1e-12)
    gids = lax.broadcasted_iota(jnp.int32, (_R1, G), 1).astype(_f32)
    oh = (batch_ref[...] == gids).astype(_f32)
    cdims = (((0,), (0,)), ((), ()))
    psum[...] += lax.dot_general(oh, h2, cdims, preferred_element_type=_f32)
    pcnt[...] += lax.dot_general(oh, jnp.ones((_R1, D_OUT), _f32), cdims,
                                 preferred_element_type=_f32)

    @pl.when(i == steps - 1)
    def _():
      pooled = psum[...] / jnp.maximum(pcnt[...], 1.0)
      logits = (jnp.dot(pooled, fcWT_ref[...], preferred_element_type=_f32)
                + fcb_ref[...])
      m = jnp.max(logits, axis=1, keepdims=True)
      e = jnp.exp(logits - m)
      out_ref[...] = e / jnp.sum(e, axis=1, keepdims=True)

  row = lambda i: (i, 0)
  full = lambda i: (0, 0)
  return pl.pallas_call(
      body,
      grid=(steps,),
      in_specs=[
          pl.BlockSpec((_R1, 128), row),
          pl.BlockSpec((_R1, 128), lambda i: (i + NPAD // _R1, 0)),
          pl.BlockSpec((_R1, NC * NS), row),
          pl.BlockSpec((_R1, D_OUT), row),
          pl.BlockSpec((_R1, 1), row),
          pl.BlockSpec((D_OUT, 2), full),
          pl.BlockSpec((1, 2), full),
      ],
      out_specs=pl.BlockSpec((G, 2), full),
      out_shape=jax.ShapeDtypeStruct((G, 2), _f32),
      scratch_shapes=[
          pltpu.VMEM((G, D_OUT), _f32),
          pltpu.VMEM((G, D_OUT), _f32),
      ],
  )(sums2, sums2, cntT, hr, batchf, fcWT, fcb)


def kernel(feat, edge_index, batch, W1_l, b1_l, W1_r, W2_l, b2_l, W2_r,
           fc_W, fc_b):
  src = edge_index[0].astype(jnp.int32)
  dst = edge_index[1].astype(jnp.int32)
  pad = E1 - E
  src_p = jnp.concatenate([src, jnp.zeros((pad,), jnp.int32)])
  dst_p = jnp.concatenate([dst, jnp.full((pad,), NPAD - 1, jnp.int32)])
  srcw1 = jnp.stack([2 * src_p, 2 * src_p + 1]).reshape(NC, NS, NCH1, IC, W)
  dstw1 = dst_p.reshape(NS, NCH1, IC, W)
  srcw2 = src_p.reshape(NC * NS, NCH2, IC, W)
  dstw2 = dst_p.reshape(NC * NS, NCH2, IC, W)
  featLR = feat.reshape(2 * N, 128)
  featP = jnp.concatenate([feat, jnp.zeros((NPAD - N, D_IN), _f32)])
  zrows = jnp.zeros((RPS, 128), _f32)
  zcnt = jnp.zeros((NPAD,), _f32)
  batchP = jnp.concatenate(
      [batch.astype(_f32), jnp.full((NPAD - N,), float(G), _f32)])

  sums1 = _sc_agg1(featLR, srcw1, dstw1, zrows)
  cnt32 = _sc_counts(dstw2, zcnt)
  cntT = cnt32.T
  p2, hr = _tc_dense1(sums1, cntT, featP,
                      W1_l.T, W1_r.T, b1_l.reshape(1, -1),
                      W2_l.T, W2_r.T, b2_l.reshape(1, -1))
  sums2 = _sc_agg2(p2, srcw2, dstw2, zrows)
  out = _tc_dense2(sums2, cntT, hr,
                   batchP.reshape(NPAD, 1), fc_W.T, fc_b.reshape(1, -1))
  return out

# --- scband reference (transcript-rebuilt; emitter-appended) ---
"""Pipeline reference for scband-graph-sage-2568390443610 (READ-ONLY COPY).

The authoritative reference and input builder live on the scoring server;
editing this copy changes nothing except your own understanding.
"""

import jax, jax.numpy as jnp
import numpy as np

N = 10000
E = 160000
D_IN = 256
D_HID = 256
D_OUT = 128
G = 64

def setup_inputs(seed: int = 0) -> dict:
    key = jax.random.key(seed)
    ks = jax.random.split(key, 12)
    feat = jax.random.normal(ks[0], (N, D_IN), dtype=jnp.float32)
    edge_index = jax.random.randint(ks[1], (2, E), 0, N, dtype=jnp.int64)
    batch = jnp.sort(jax.random.randint(ks[2], (N,), 0, G, dtype=jnp.int64))
    def xavier(k, shape):
        fan_in, fan_out = shape[1], shape[0]
        lim = float(np.sqrt(6.0 / (fan_in + fan_out)))
        return jax.random.uniform(k, shape, dtype=jnp.float32, minval=-lim, maxval=lim)
    W1_l = xavier(ks[3], (D_HID, D_IN))
    b1_l = jnp.zeros((D_HID,), dtype=jnp.float32)
    W1_r = xavier(ks[4], (D_HID, D_IN))
    W2_l = xavier(ks[5], (D_OUT, D_HID))
    b2_l = jnp.zeros((D_OUT,), dtype=jnp.float32)
    W2_r = xavier(ks[6], (D_OUT, D_HID))
    fc_W = xavier(ks[7], (2, D_OUT))
    fc_b = jnp.zeros((2,), dtype=jnp.float32)
    return {"feat": feat, "edge_index": edge_index, "batch": batch,
            "W1_l": W1_l, "b1_l": b1_l, "W1_r": W1_r,
            "W2_l": W2_l, "b2_l": b2_l, "W2_r": W2_r,
            "fc_W": fc_W, "fc_b": fc_b}

def _sage_conv(x, edge_index, W_l, b_l, W_r):
    src = edge_index[0]
    dst = edge_index[1]
    msg = jnp.take(x, src, axis=0)
    summed = jax.ops.segment_sum(msg, dst, num_segments=x.shape[0])
    cnt = jax.ops.segment_sum(jnp.ones((edge_index.shape[1],), dtype=x.dtype), dst, num_segments=x.shape[0])
    agg = summed / jnp.clip(cnt, 1.0, None)[:, None]
    out = agg @ W_l.T + b_l + x @ W_r.T
    nrm = jnp.linalg.norm(out, ord=2, axis=-1, keepdims=True)
    out = out / jnp.maximum(nrm, 1e-12)
    return out

def reference(feat, edge_index, batch, W1_l, b1_l, W1_r, W2_l, b2_l, W2_r, fc_W, fc_b):
    h = _sage_conv(feat, edge_index, W1_l, b1_l, W1_r)
    h = jax.nn.relu(h)
    h = _sage_conv(h, edge_index, W2_l, b2_l, W2_r)
    pooled_sum = jax.ops.segment_sum(h, batch, num_segments=G)
    pooled_cnt = jax.ops.segment_sum(jnp.ones((h.shape[0],), dtype=h.dtype), batch, num_segments=G)
    pooled = pooled_sum / jnp.clip(pooled_cnt, 1.0, None)[:, None]
    # dropout is identity in eval mode
    out = pooled @ fc_W.T + fc_b
    return jax.nn.softmax(out, axis=-1)

if __name__ == "__main__":
    import jax
    _d = setup_inputs()
    print(jax.jit(kernel)(*tuple(_d.values())))

</pallas_src>

<mosaic_0001>
#map = affine_map<(d0, d1) -> (0, 0, 0, 0)>
#map1 = affine_map<(d0, d1) -> (0)>
#map2 = affine_map<(d0, d1) -> (0, 0)>
module attributes {stable_mosaic.version = 14 : i64} {
  func.func @k(%arg0: i32, %arg1: i32, %arg2: memref<32x5x8x128xi32, #tpu.memory_space<hbm>>, %arg3: memref<10240xf32, #tpu.memory_space<hbm>>, %arg4: memref<32x10240xf32, #tpu.memory_space<hbm>>, %arg5: memref<8x128xi32, #tpu.memory_space<vmem>>, %arg6: memref<10240xf32, #tpu.memory_space<vmem>>) attributes {dimension_semantics = [#tpu.dimension_semantics<core_parallel>, #tpu.dimension_semantics<subcore_parallel>], iteration_bounds = array<i64: 2, 16>, scalar_prefetch = 0 : i64, scratch_operands = 2 : i64, tpu.core_type = #tpu.core_type<sc_vector_subcore>, window_params = [{transform_indices = #map}, {transform_indices = #map1}, {transform_indices = #map2}]} {
    %mul3A = arith.constant 2 : i32
    %mul3A_0 = arith.muli %arg1, %mul3A : i32
    %add3A = arith.addi %mul3A_0, %arg0 : i32
    "tpu.region"() ({
      %run_scoped3A = tpu.sem_alloc : memref<!tpu.dma_semaphore, #tpu.memory_space<semaphore_mem>>
      tpu.enqueue_dma source(%arg3 : memref<10240xf32, #tpu.memory_space<hbm>>) target(%arg6 : memref<10240xf32, #tpu.memory_space<vmem>>) target_semaphore(%run_scoped3A : memref<!tpu.dma_semaphore, #tpu.memory_space<semaphore_mem>>)
      tpu.wait_dma2 semaphore(%run_scoped3A : memref<!tpu.dma_semaphore, #tpu.memory_space<semaphore_mem>>) src(%arg3 : memref<10240xf32, #tpu.memory_space<hbm>>) dst(%arg6 : memref<10240xf32, #tpu.memory_space<vmem>>)
      tpu.yield
    }) : () -> ()
    %broadcast_in_dim3A = arith.constant 1.000000e+00 : f32
    %broadcast_in_dim3A_1 = vector.broadcast %broadcast_in_dim3A : f32 to vector<16xf32>
    %scan3A = arith.constant 0 : i32
    %scan3A_2 = arith.constant 5 : i32
    %scan3A_3 = arith.addi %scan3A, %scan3A_2 : i32
    %scan3A_4 = arith.constant 1 : i32
    scf.for %scan3A_6 = %scan3A to %scan3A_3 step %scan3A_4  : i32 {
      %mul3A_7 = arith.constant 1 : i32
      %mul3A_8 = arith.muli %scan3A_6, %mul3A_7 : i32
      %add3A_9 = arith.constant 0 : i32
      %add3A_10 = arith.addi %add3A_9, %mul3A_8 : i32
      "tpu.region"() ({
        %run_scoped3A = tpu.sem_alloc : memref<!tpu.dma_semaphore, #tpu.memory_space<semaphore_mem>>
        %dma_start3A = arith.constant 0 : i32
        %dma_start3A_16 = arith.constant 0 : i32
        %dma_start3A_17 = tpu.memref_slice %arg2[%add3A, %add3A_10, %dma_start3A, %dma_start3A_16] : memref<32x5x8x128xi32, #tpu.memory_space<hbm>> -> memref<1x1x8x128xi32, #tpu.memory_space<hbm>>
        %dma_start3A_18 = tpu.memref_squeeze %dma_start3A_17 : memref<1x1x8x128xi32, #tpu.memory_space<hbm>> -> memref<8x128xi32, #tpu.memory_space<hbm>>
        %dma_start3A_19 = arith.constant 0 : i32
        %dma_start3A_20 = arith.constant 0 : i32
        %dma_start3A_21 = tpu.memref_slice %arg2[%add3A, %add3A_10, %dma_start3A_19, %dma_start3A_20] : memref<32x5x8x128xi32, #tpu.memory_space<hbm>> -> memref<1x1x8x128xi32, #tpu.memory_space<hbm>>
        %dma_start3A_22 = tpu.memref_squeeze %dma_start3A_21 : memref<1x1x8x128xi32, #tpu.memory_space<hbm>> -> memref<8x128xi32, #tpu.memory_space<hbm>>
        tpu.enqueue_dma source(%dma_start3A_22 : memref<8x128xi32, #tpu.memory_space<hbm>>) target(%arg5 : memref<8x128xi32, #tpu.memory_space<vmem>>) target_semaphore(%run_scoped3A : memref<!tpu.dma_semaphore, #tpu.memory_space<semaphore_mem>>)
        %dma_wait3A = arith.constant 0 : i32
        %dma_wait3A_23 = arith.constant 0 : i32
        %dma_wait3A_24 = tpu.memref_slice %arg2[%add3A, %add3A_10, %dma_wait3A, %dma_wait3A_23] : memref<32x5x8x128xi32, #tpu.memory_space<hbm>> -> memref<1x1x8x128xi32, #tpu.memory_space<hbm>>
        %dma_wait3A_25 = tpu.memref_squeeze %dma_wait3A_24 : memref<1x1x8x128xi32, #tpu.memory_space<hbm>> -> memref<8x128xi32, #tpu.memory_space<hbm>>
        %dma_wait3A_26 = arith.constant 0 : i32
        %dma_wait3A_27 = arith.constant 0 : i32
        %dma_wait3A_28 = tpu.memref_slice %arg2[%add3A, %add3A_10, %dma_wait3A_26, %dma_wait3A_27] : memref<32x5x8x128xi32, #tpu.memory_space<hbm>> -> memref<1x1x8x128xi32, #tpu.memory_space<hbm>>
        %dma_wait3A_29 = tpu.memref_squeeze %dma_wait3A_28 : memref<1x1x8x128xi32, #tpu.memory_space<hbm>> -> memref<8x128xi32, #tpu.memory_space<hbm>>
        tpu.wait_dma2 semaphore(%run_scoped3A : memref<!tpu.dma_semaphore, #tpu.memory_space<semaphore_mem>>) src(%dma_wait3A_29 : memref<8x128xi32, #tpu.memory_space<hbm>>) dst(%arg5 : memref<8x128xi32, #tpu.memory_space<vmem>>)
        tpu.yield
      }) : () -> ()
      %scan3A_11 = arith.constant 0 : i32
      %scan3A_12 = arith.constant 8 : i32
      %scan3A_13 = arith.addi %scan3A_11, %scan3A_12 : i32
      %scan3A_14 = arith.constant 1 : i32
      scf.for %scan3A_16 = %scan3A_11 to %scan3A_13 step %scan3A_14  : i32 {
        %mul3A_17 = arith.constant 1 : i32
        %mul3A_18 = arith.muli %scan3A_16, %mul3A_17 : i32
        %add3A_19 = arith.constant 0 : i32
        %add3A_20 = arith.addi %add3A_19, %mul3A_18 : i32
        %scan3A_21 = arith.constant 0 : i32
        %scan3A_22 = arith.constant 8 : i32
        %scan3A_23 = arith.addi %scan3A_21, %scan3A_22 : i32
        %scan3A_24 = arith.constant 1 : i32
        scf.for %scan3A_26 = %scan3A_21 to %scan3A_23 step %scan3A_24  : i32 {
          %mul3A_27 = arith.constant 1 : i32
          %mul3A_28 = arith.muli %scan3A_26, %mul3A_27 : i32
          %add3A_29 = arith.constant 0 : i32
          %add3A_30 = arith.addi %add3A_29, %mul3A_28 : i32
          %mul3A_31 = arith.constant 16 : i32
          %mul3A_32 = arith.muli %add3A_30, %mul3A_31 : i32
          %get3A = arith.index_cast %add3A_20 : i32 to index
          %get3A_33 = arith.index_cast %mul3A_32 : i32 to index
          %get3A_34 = tpu.vector_load %arg5[%get3A, %get3A_33] {strides = array<i32>} : memref<8x128xi32, #tpu.memory_space<vmem>>, vector<16xi32>,
          tpu.vector_store_idx %arg6[%get3A_34], %broadcast_in_dim3A_1 {add = true} : memref<10240xf32, #tpu.memory_space<vmem>>[vector<16xi32>], vector<16xf32>,
        }
        %scan3A_25 = arith.constant 8 : i32
      }
      %scan3A_15 = arith.constant 8 : i32
    }
    %scan3A_5 = arith.constant 5 : i32
    "tpu.region"() ({
      %run_scoped3A = tpu.sem_alloc : memref<!tpu.dma_semaphore, #tpu.memory_space<semaphore_mem>>
      %dma_start3A = arith.constant 0 : i32
      %dma_start3A_6 = tpu.memref_slice %arg4[%add3A, %dma_start3A] : memref<32x10240xf32, #tpu.memory_space<hbm>> -> memref<1x10240xf32, #tpu.memory_space<hbm>>
      %dma_start3A_7 = tpu.memref_squeeze %dma_start3A_6 : memref<1x10240xf32, #tpu.memory_space<hbm>> -> memref<10240xf32, #tpu.memory_space<hbm>>
      %dma_start3A_8 = arith.constant 0 : i32
      %dma_start3A_9 = tpu.memref_slice %arg4[%add3A, %dma_start3A_8] : memref<32x10240xf32, #tpu.memory_space<hbm>> -> memref<1x10240xf32, #tpu.memory_space<hbm>>
      %dma_start3A_10 = tpu.memref_squeeze %dma_start3A_9 : memref<1x10240xf32, #tpu.memory_space<hbm>> -> memref<10240xf32, #tpu.memory_space<hbm>>
      tpu.enqueue_dma source(%arg6 : memref<10240xf32, #tpu.memory_space<vmem>>) target(%dma_start3A_10 : memref<10240xf32, #tpu.memory_space<hbm>>) target_semaphore(%run_scoped3A : memref<!tpu.dma_semaphore, #tpu.memory_space<semaphore_mem>>)
      %dma_wait3A = arith.constant 0 : i32
      %dma_wait3A_11 = tpu.memref_slice %arg4[%add3A, %dma_wait3A] : memref<32x10240xf32, #tpu.memory_space<hbm>> -> memref<1x10240xf32, #tpu.memory_space<hbm>>
      %dma_wait3A_12 = tpu.memref_squeeze %dma_wait3A_11 : memref<1x10240xf32, #tpu.memory_space<hbm>> -> memref<10240xf32, #tpu.memory_space<hbm>>
      %dma_wait3A_13 = arith.constant 0 : i32
      %dma_wait3A_14 = tpu.memref_slice %arg4[%add3A, %dma_wait3A_13] : memref<32x10240xf32, #tpu.memory_space<hbm>> -> memref<1x10240xf32, #tpu.memory_space<hbm>>
      %dma_wait3A_15 = tpu.memref_squeeze %dma_wait3A_14 : memref<1x10240xf32, #tpu.memory_space<hbm>> -> memref<10240xf32, #tpu.memory_space<hbm>>
      tpu.wait_dma2 semaphore(%run_scoped3A : memref<!tpu.dma_semaphore, #tpu.memory_space<semaphore_mem>>) src(%arg6 : memref<10240xf32, #tpu.memory_space<vmem>>) dst(%dma_wait3A_15 : memref<10240xf32, #tpu.memory_space<hbm>>)
      tpu.yield
    }) : () -> ()
    return
  }
}

#map = affine_map<(d0, d1) -> (0, 0)>
#map1 = affine_map<(d0, d1) -> (0, 0, 0, 0, 0)>
#map2 = affine_map<(d0, d1) -> (0, 0, 0, 0)>
module attributes {stable_mosaic.version = 14 : i64} {
  func.func @k(%arg0: i32, %arg1: i32, %arg2: memref<20000x128xf32, #tpu.memory_space<hbm>>, %arg3: memref<2x16x10x8x128xi32, #tpu.memory_space<hbm>>, %arg4: memref<16x10x8x128xi32, #tpu.memory_space<hbm>>, %arg5: memref<640x128xf32, #tpu.memory_space<hbm>>, %arg6: memref<20480x128xf32, #tpu.memory_space<hbm>>, %arg7: memref<10240x128xf32, #tpu.memory_space<vmem_shared>>, %arg8: memref<8x128xi32, #tpu.memory_space<vmem>>, %arg9: memref<8x128xi32, #tpu.memory_space<vmem>>, %arg10: memref<128x128xf32, #tpu.memory_space<vmem>>, %arg11: memref<128x128xf32, #tpu.memory_space<vmem>>, %arg12: memref<!tpu.dma_semaphore, #tpu.memory_space<semaphore_mem>>) attributes {dimension_semantics = [#tpu.dimension_semantics<core_parallel>, #tpu.dimension_semantics<subcore_parallel>], iteration_bounds = array<i64: 2, 16>, scalar_prefetch = 0 : i64, scratch_operands = 6 : i64, tpu.core_type = #tpu.core_type<sc_vector_subcore>, window_params = [{transform_indices = #map}, {transform_indices = #map1}, {transform_indices = #map2}, {transform_indices = #map}, {transform_indices = #map}]} {
    %mul3A = arith.constant 640 : i32
    %mul3A_0 = arith.muli %arg1, %mul3A : i32
    "tpu.region"() ({
      %run_scoped3A = tpu.sem_alloc : memref<!tpu.dma_semaphore, #tpu.memory_space<semaphore_mem>>
      %dma_start3A = arith.constant 0 : i32
      %dma_start3A_10 = tpu.memref_slice %arg7[%mul3A_0, %dma_start3A] : memref<10240x128xf32, #tpu.memory_space<vmem_shared>> -> memref<640x128xf32, #tpu.memory_space<vmem_shared>>
      tpu.enqueue_dma source(%arg5 : memref<640x128xf32, #tpu.memory_space<hbm>>) target(%dma_start3A_10 : memref<640x128xf32, #tpu.memory_space<vmem_shared>>) target_semaphore(%run_scoped3A : memref<!tpu.dma_semaphore, #tpu.memory_space<semaphore_mem>>)
      %dma_wait3A = arith.constant 0 : i32
      %dma_wait3A_11 = tpu.memref_slice %arg7[%mul3A_0, %dma_wait3A] : memref<10240x128xf32, #tpu.memory_space<vmem_shared>> -> memref<640x128xf32, #tpu.memory_space<vmem_shared>>
      tpu.wait_dma2 semaphore(%run_scoped3A : memref<!tpu.dma_semaphore, #tpu.memory_space<semaphore_mem>>) src(%arg5 : memref<640x128xf32, #tpu.memory_space<hbm>>) dst(%dma_wait3A_11 : memref<640x128xf32, #tpu.memory_space<vmem_shared>>)
      tpu.yield
    }) : () -> ()
    %barrier3A = arith.constant 0 : index
    tpu.barrier barrier_id(%barrier3A)
    %scan3A = arith.constant 0 : i32
    %scan3A_1 = arith.constant 10 : i32
    %scan3A_2 = arith.addi %scan3A, %scan3A_1 : i32
    %scan3A_3 = arith.constant 1 : i32
    scf.for %scan3A_10 = %scan3A to %scan3A_2 step %scan3A_3  : i32 {
      %mul3A_11 = arith.constant 1 : i32
      %mul3A_12 = arith.muli %scan3A_10, %mul3A_11 : i32
      %add3A_13 = arith.constant 0 : i32
      %add3A_14 = arith.addi %add3A_13, %mul3A_12 : i32
      "tpu.region"() ({
        %run_scoped3A = tpu.sem_alloc : memref<!tpu.dma_semaphore, #tpu.memory_space<semaphore_mem>>
        %dma_start3A_26 = arith.constant 0 : i32
        %dma_start3A_27 = arith.constant 0 : i32
        %dma_start3A_28 = tpu.memref_slice %arg3[%arg0, %arg1, %add3A_14, %dma_start3A_26, %dma_start3A_27] : memref<2x16x10x8x128xi32, #tpu.memory_space<hbm>> -> memref<1x1x1x8x128xi32, #tpu.memory_space<hbm>>
        %dma_start3A_29 = tpu.memref_squeeze %dma_start3A_28 : memref<1x1x1x8x128xi32, #tpu.memory_space<hbm>> -> memref<8x128xi32, #tpu.memory_space<hbm>>
        %dma_start3A_30 = arith.constant 0 : i32
        %dma_start3A_31 = arith.constant 0 : i32
        %dma_start3A_32 = tpu.memref_slice %arg3[%arg0, %arg1, %add3A_14, %dma_start3A_30, %dma_start3A_31] : memref<2x16x10x8x128xi32, #tpu.memory_space<hbm>> -> memref<1x1x1x8x128xi32, #tpu.memory_space<hbm>>
        %dma_start3A_33 = tpu.memref_squeeze %dma_start3A_32 : memref<1x1x1x8x128xi32, #tpu.memory_space<hbm>> -> memref<8x128xi32, #tpu.memory_space<hbm>>
        tpu.enqueue_dma source(%dma_start3A_33 : memref<8x128xi32, #tpu.memory_space<hbm>>) target(%arg8 : memref<8x128xi32, #tpu.memory_space<vmem>>) target_semaphore(%run_scoped3A : memref<!tpu.dma_semaphore, #tpu.memory_space<semaphore_mem>>)
        %dma_wait3A = arith.constant 0 : i32
        %dma_wait3A_34 = arith.constant 0 : i32
        %dma_wait3A_35 = tpu.memref_slice %arg3[%arg0, %arg1, %add3A_14, %dma_wait3A, %dma_wait3A_34] : memref<2x16x10x8x128xi32, #tpu.memory_space<hbm>> -> memref<1x1x1x8x128xi32, #tpu.memory_space<hbm>>
        %dma_wait3A_36 = tpu.memref_squeeze %dma_wait3A_35 : memref<1x1x1x8x128xi32, #tpu.memory_space<hbm>> -> memref<8x128xi32, #tpu.memory_space<hbm>>
        %dma_wait3A_37 = arith.constant 0 : i32
        %dma_wait3A_38 = arith.constant 0 : i32
        %dma_wait3A_39 = tpu.memref_slice %arg3[%arg0, %arg1, %add3A_14, %dma_wait3A_37, %dma_wait3A_38] : memref<2x16x10x8x128xi32, #tpu.memory_space<hbm>> -> memref<1x1x1x8x128xi32, #tpu.memory_space<hbm>>
        %dma_wait3A_40 = tpu.memref_squeeze %dma_wait3A_39 : memref<1x1x1x8x128xi32, #tpu.memory_space<hbm>> -> memref<8x128xi32, #tpu.memory_space<hbm>>
        tpu.wait_dma2 semaphore(%run_scoped3A : memref<!tpu.dma_semaphore, #tpu.memory_space<semaphore_mem>>) src(%dma_wait3A_40 : memref<8x128xi32, #tpu.memory_space<hbm>>) dst(%arg8 : memref<8x128xi32, #tpu.memory_space<vmem>>)
        tpu.yield
      }) : () -> ()
      "tpu.region"() ({
        %run_scoped3A = tpu.sem_alloc : memref<!tpu.dma_semaphore, #tpu.memory_space<semaphore_mem>>
        %dma_start3A_26 = arith.constant 0 : i32
        %dma_start3A_27 = arith.constant 0 : i32
        %dma_start3A_28 = tpu.memref_slice %arg4[%arg1, %add3A_14, %dma_start3A_26, %dma_start3A_27] : memref<16x10x8x128xi32, #tpu.memory_space<hbm>> -> memref<1x1x8x128xi32, #tpu.memory_space<hbm>>
        %dma_start3A_29 = tpu.memref_squeeze %dma_start3A_28 : memref<1x1x8x128xi32, #tpu.memory_space<hbm>> -> memref<8x128xi32, #tpu.memory_space<hbm>>
        %dma_start3A_30 = arith.constant 0 : i32
        %dma_start3A_31 = arith.constant 0 : i32
        %dma_start3A_32 = tpu.memref_slice %arg4[%arg1, %add3A_14, %dma_start3A_30, %dma_start3A_31] : memref<16x10x8x128xi32, #tpu.memory_space<hbm>> -> memref<1x1x8x128xi32, #tpu.memory_space<hbm>>
        %dma_start3A_33 = tpu.memref_squeeze %dma_start3A_32 : memref<1x1x8x128xi32, #tpu.memory_space<hbm>> -> memref<8x128xi32, #tpu.memory_space<hbm>>
        tpu.enqueue_dma source(%dma_start3A_33 : memref<8x128xi32, #tpu.memory_space<hbm>>) target(%arg9 : memref<8x128xi32, #tpu.memory_space<vmem>>) target_semaphore(%run_scoped3A : memref<!tpu.dma_semaphore, #tpu.memory_space<semaphore_mem>>)
        %dma_wait3A = arith.constant 0 : i32
        %dma_wait3A_34 = arith.constant 0 : i32
        %dma_wait3A_35 = tpu.memref_slice %arg4[%arg1, %add3A_14, %dma_wait3A, %dma_wait3A_34] : memref<16x10x8x128xi32, #tpu.memory_space<hbm>> -> memref<1x1x8x128xi32, #tpu.memory_space<hbm>>
        %dma_wait3A_36 = tpu.memref_squeeze %dma_wait3A_35 : memref<1x1x8x128xi32, #tpu.memory_space<hbm>> -> memref<8x128xi32, #tpu.memory_space<hbm>>
        %dma_wait3A_37 = arith.constant 0 : i32
        %dma_wait3A_38 = arith.constant 0 : i32
        %dma_wait3A_39 = tpu.memref_slice %arg4[%arg1, %add3A_14, %dma_wait3A_37, %dma_wait3A_38] : memref<16x10x8x128xi32, #tpu.memory_space<hbm>> -> memref<1x1x8x128xi32, #tpu.memory_space<hbm>>
        %dma_wait3A_40 = tpu.memref_squeeze %dma_wait3A_39 : memref<1x1x8x128xi32, #tpu.memory_space<hbm>> -> memref<8x128xi32, #tpu.memory_space<hbm>>
        tpu.wait_dma2 semaphore(%run_scoped3A : memref<!tpu.dma_semaphore, #tpu.memory_space<semaphore_mem>>) src(%dma_wait3A_40 : memref<8x128xi32, #tpu.memory_space<hbm>>) dst(%arg9 : memref<8x128xi32, #tpu.memory_space<vmem>>)
        tpu.yield
      }) : () -> ()
      %dma_start3A = arith.constant 0 : i32
      %dma_start3A_15 = arith.constant 0 : i32
      %dma_start3A_16 = tpu.memref_slice %arg8[%dma_start3A, %dma_start3A_15] : memref<8x128xi32, #tpu.memory_space<vmem>> -> memref<1x128xi32, #tpu.memory_space<vmem>>
      %dma_start3A_17 = tpu.memref_squeeze %dma_start3A_16 : memref<1x128xi32, #tpu.memory_space<vmem>> -> memref<128xi32, #tpu.memory_space<vmem>>
      %dma_start3A_18 = arith.constant 0 : i32
      %dma_start3A_19 = arith.constant 0 : i32
      %dma_start3A_20 = tpu.memref_slice %arg2[%dma_start3A_18, %dma_start3A_19] : memref<20000x128xf32, #tpu.memory_space<hbm>> -> memref<20000x128xf32, #tpu.memory_space<hbm>>
      tpu.enqueue_indirect_dma source(%dma_start3A_20 : memref<20000x128xf32, #tpu.memory_space<hbm>>) target(%arg10 : memref<128x128xf32, #tpu.memory_space<vmem>>) offsets(%dma_start3A_17 : memref<128xi32, #tpu.memory_space<vmem>>) semaphore(%arg12 : memref<!tpu.dma_semaphore, #tpu.memory_space<semaphore_mem>>)
      %scan3A_21 = arith.constant 0 : i32
      %scan3A_22 = arith.constant 4 : i32
      %scan3A_23 = arith.addi %scan3A_21, %scan3A_22 : i32
      %scan3A_24 = arith.constant 1 : i32
      scf.for %scan3A_26 = %scan3A_21 to %scan3A_23 step %scan3A_24  : i32 {
        %mul3A_27 = arith.constant 2 : i32
        %mul3A_28 = arith.muli %scan3A_26, %mul3A_27 : i32
        %add3A_29 = arith.constant 0 : i32
        %add3A_30 = arith.addi %add3A_29, %mul3A_28 : i32
        %dma_wait3A = arith.constant 0 : i32
        %dma_wait3A_31 = arith.constant 0 : i32
        %dma_wait3A_32 = tpu.memref_slice %arg8[%dma_wait3A, %dma_wait3A_31] : memref<8x128xi32, #tpu.memory_space<vmem>> -> memref<1x128xi32, #tpu.memory_space<vmem>>
        %dma_wait3A_33 = tpu.memref_squeeze %dma_wait3A_32 : memref<1x128xi32, #tpu.memory_space<vmem>> -> memref<128xi32, #tpu.memory_space<vmem>>
        %dma_wait3A_34 = arith.constant 0 : i32
        %dma_wait3A_35 = arith.constant 0 : i32
        %dma_wait3A_36 = tpu.memref_slice %arg2[%dma_wait3A_34, %dma_wait3A_35] : memref<20000x128xf32, #tpu.memory_space<hbm>> -> memref<20000x128xf32, #tpu.memory_space<hbm>>
        tpu.wait_indirect_dma semaphore(%arg12 : memref<!tpu.dma_semaphore, #tpu.memory_space<semaphore_mem>>) src(%dma_wait3A_36 : memref<20000x128xf32, #tpu.memory_space<hbm>>) dst(%arg10 : memref<128x128xf32, #tpu.memory_space<vmem>>)
        %add3A_37 = arith.constant 1 : i32
        %add3A_38 = arith.addi %add3A_30, %add3A_37 : i32
        %dma_start3A_39 = arith.constant 0 : i32
        %dma_start3A_40 = tpu.memref_slice %arg8[%add3A_38, %dma_start3A_39] : memref<8x128xi32, #tpu.memory_space<vmem>> -> memref<1x128xi32, #tpu.memory_space<vmem>>
        %dma_start3A_41 = tpu.memref_squeeze %dma_start3A_40 : memref<1x128xi32, #tpu.memory_space<vmem>> -> memref<128xi32, #tpu.memory_space<vmem>>
        %dma_start3A_42 = arith.constant 0 : i32
        %dma_start3A_43 = arith.constant 0 : i32
        %dma_start3A_44 = tpu.memref_slice %arg2[%dma_start3A_42, %dma_start3A_43] : memref<20000x128xf32, #tpu.memory_space<hbm>> -> memref<20000x128xf32, #tpu.memory_space<hbm>>
        tpu.enqueue_indirect_dma source(%dma_start3A_44 : memref<20000x128xf32, #tpu.memory_space<hbm>>) target(%arg11 : memref<128x128xf32, #tpu.memory_space<vmem>>) offsets(%dma_start3A_41 : memref<128xi32, #tpu.memory_space<vmem>>) semaphore(%arg12 : memref<!tpu.dma_semaphore, #tpu.memory_space<semaphore_mem>>)
        "tpu.region"() ({
          %run_scoped3A = tpu.sem_alloc : memref<!tpu.dma_semaphore, #tpu.memory_space<semaphore_mem>>
          %dma_start3A_58 = arith.constant 0 : i32
          %dma_start3A_59 = tpu.memref_slice %arg9[%add3A_30, %dma_start3A_58] : memref<8x128xi32, #tpu.memory_space<vmem>> -> memref<1x128xi32, #tpu.memory_space<vmem>>
          %dma_start3A_60 = tpu.memref_squeeze %dma_start3A_59 : memref<1x128xi32, #tpu.memory_space<vmem>> -> memref<128xi32, #tpu.memory_space<vmem>>
          %dma_start3A_61 = arith.constant 0 : i32
          %dma_start3A_62 = arith.constant 0 : i32
          %dma_start3A_63 = tpu.memref_slice %arg7[%dma_start3A_61, %dma_start3A_62] : memref<10240x128xf32, #tpu.memory_space<vmem_shared>> -> memref<10240x128xf32, #tpu.memory_space<vmem_shared>>
          tpu.enqueue_indirect_dma source(%arg10 : memref<128x128xf32, #tpu.memory_space<vmem>>) target(%dma_start3A_63 : memref<10240x128xf32, #tpu.memory_space<vmem_shared>>) offsets(%dma_start3A_60 : memref<128xi32, #tpu.memory_space<vmem>>) semaphore(%run_scoped3A : memref<!tpu.dma_semaphore, #tpu.memory_space<semaphore_mem>>) {add = true}
          %dma_wait3A_64 = arith.constant 0 : i32
          %dma_wait3A_65 = tpu.memref_slice %arg9[%add3A_30, %dma_wait3A_64] : memref<8x128xi32, #tpu.memory_space<vmem>> -> memref<1x128xi32, #tpu.memory_space<vmem>>
          %dma_wait3A_66 = tpu.memref_squeeze %dma_wait3A_65 : memref<1x128xi32, #tpu.memory_space<vmem>> -> memref<128xi32, #tpu.memory_space<vmem>>
          %dma_wait3A_67 = arith.constant 0 : i32
          %dma_wait3A_68 = arith.constant 0 : i32
          %dma_wait3A_69 = tpu.memref_slice %arg7[%dma_wait3A_67, %dma_wait3A_68] : memref<10240x128xf32, #tpu.memory_space<vmem_shared>> -> memref<10240x128xf32, #tpu.memory_space<vmem_shared>>
          tpu.wait_indirect_dma semaphore(%run_scoped3A : memref<!tpu.dma_semaphore, #tpu.memory_space<semaphore_mem>>) src(%arg10 : memref<128x128xf32, #tpu.memory_space<vmem>>) dst(%dma_wait3A_69 : memref<10240x128xf32, #tpu.memory_space<vmem_shared>>)
          tpu.yield
        }) : () -> ()
        %dma_wait3A_45 = arith.constant 0 : i32
        %dma_wait3A_46 = arith.constant 0 : i32
        %dma_wait3A_47 = tpu.memref_slice %arg8[%dma_wait3A_45, %dma_wait3A_46] : memref<8x128xi32, #tpu.memory_space<vmem>> -> memref<1x128xi32, #tpu.memory_space<vmem>>
        %dma_wait3A_48 = tpu.memref_squeeze %dma_wait3A_47 : memref<1x128xi32, #tpu.memory_space<vmem>> -> memref<128xi32, #tpu.memory_space<vmem>>
        %dma_wait3A_49 = arith.constant 0 : i32
        %dma_wait3A_50 = arith.constant 0 : i32
        %dma_wait3A_51 = tpu.memref_slice %arg2[%dma_wait3A_49, %dma_wait3A_50] : memref<20000x128xf32, #tpu.memory_space<hbm>> -> memref<20000x128xf32, #tpu.memory_space<hbm>>
        tpu.wait_indirect_dma semaphore(%arg12 : memref<!tpu.dma_semaphore, #tpu.memory_space<semaphore_mem>>) src(%dma_wait3A_51 : memref<20000x128xf32, #tpu.memory_space<hbm>>) dst(%arg11 : memref<128x128xf32, #tpu.memory_space<vmem>>)
        %add3A_52 = arith.constant 2 : i32
        %add3A_53 = arith.addi %add3A_30, %add3A_52 : i32
        %lt3A = arith.constant 8 : i32
        %lt3A_54 = arith.cmpi slt, %add3A_53, %lt3A : i32
        %convert_element_type3A = arith.extui %lt3A_54 : i1 to i32
        %cond3A = arith.constant 0 : i32
        %cond3A_55 = arith.cmpi ne, %convert_element_type3A, %cond3A : i32
        scf.if %cond3A_55 {
          %add3A_58 = arith.constant 2 : i32
          %add3A_59 = arith.addi %add3A_30, %add3A_58 : i32
          %dma_start3A_60 = arith.constant 0 : i32
          %dma_start3A_61 = tpu.memref_slice %arg8[%add3A_59, %dma_start3A_60] : memref<8x128xi32, #tpu.memory_space<vmem>> -> memref<1x128xi32, #tpu.memory_space<vmem>>
          %dma_start3A_62 = tpu.memref_squeeze %dma_start3A_61 : memref<1x128xi32, #tpu.memory_space<vmem>> -> memref<128xi32, #tpu.memory_space<vmem>>
          %dma_start3A_63 = arith.constant 0 : i32
          %dma_start3A_64 = arith.constant 0 : i32
          %dma_start3A_65 = tpu.memref_slice %arg2[%dma_start3A_63, %dma_start3A_64] : memref<20000x128xf32, #tpu.memory_space<hbm>> -> memref<20000x128xf32, #tpu.memory_space<hbm>>
          tpu.enqueue_indirect_dma source(%dma_start3A_65 : memref<20000x128xf32, #tpu.memory_space<hbm>>) target(%arg10 : memref<128x128xf32, #tpu.memory_space<vmem>>) offsets(%dma_start3A_62 : memref<128xi32, #tpu.memory_space<vmem>>) semaphore(%arg12 : memref<!tpu.dma_semaphore, #tpu.memory_space<semaphore_mem>>)
        } else {
        }
        %add3A_56 = arith.constant 1 : i32
        %add3A_57 = arith.addi %add3A_30, %add3A_56 : i32
        "tpu.region"() ({
          %run_scoped3A = tpu.sem_alloc : memref<!tpu.dma_semaphore, #tpu.memory_space<semaphore_mem>>
          %dma_start3A_58 = arith.constant 0 : i32
          %dma_start3A_59 = tpu.memref_slice %arg9[%add3A_57, %dma_start3A_58] : memref<8x128xi32, #tpu.memory_space<vmem>> -> memref<1x128xi32, #tpu.memory_space<vmem>>
          %dma_start3A_60 = tpu.memref_squeeze %dma_start3A_59 : memref<1x128xi32, #tpu.memory_space<vmem>> -> memref<128xi32, #tpu.memory_space<vmem>>
          %dma_start3A_61 = arith.constant 0 : i32
          %dma_start3A_62 = arith.constant 0 : i32
          %dma_start3A_63 = tpu.memref_slice %arg7[%dma_start3A_61, %dma_start3A_62] : memref<10240x128xf32, #tpu.memory_space<vmem_shared>> -> memref<10240x128xf32, #tpu.memory_space<vmem_shared>>
          tpu.enqueue_indirect_dma source(%arg11 : memref<128x128xf32, #tpu.memory_space<vmem>>) target(%dma_start3A_63 : memref<10240x128xf32, #tpu.memory_space<vmem_shared>>) offsets(%dma_start3A_60 : memref<128xi32, #tpu.memory_space<vmem>>) semaphore(%run_scoped3A : memref<!tpu.dma_semaphore, #tpu.memory_space<semaphore_mem>>) {add = true}
          %dma_wait3A_64 = arith.constant 0 : i32
          %dma_wait3A_65 = tpu.memref_slice %arg9[%add3A_57, %dma_wait3A_64] : memref<8x128xi32, #tpu.memory_space<vmem>> -> memref<1x128xi32, #tpu.memory_space<vmem>>
          %dma_wait3A_66 = tpu.memref_squeeze %dma_wait3A_65 : memref<1x128xi32, #tpu.memory_space<vmem>> -> memref<128xi32, #tpu.memory_space<vmem>>
          %dma_wait3A_67 = arith.constant 0 : i32
          %dma_wait3A_68 = arith.constant 0 : i32
          %dma_wait3A_69 = tpu.memref_slice %arg7[%dma_wait3A_67, %dma_wait3A_68] : memref<10240x128xf32, #tpu.memory_space<vmem_shared>> -> memref<10240x128xf32, #tpu.memory_space<vmem_shared>>
          tpu.wait_indirect_dma semaphore(%run_scoped3A : memref<!tpu.dma_semaphore, #tpu.memory_space<semaphore_mem>>) src(%arg11 : memref<128x128xf32, #tpu.memory_space<vmem>>) dst(%dma_wait3A_69 : memref<10240x128xf32, #tpu.memory_space<vmem_shared>>)
          tpu.yield
        }) : () -> ()
      }
      %scan3A_25 = arith.constant 4 : i32
    }
    %scan3A_4 = arith.constant 10 : i32
    %barrier3A_5 = arith.constant 0 : index
    tpu.barrier barrier_id(%barrier3A_5)
    %mul3A_6 = arith.constant 10240 : i32
    %mul3A_7 = arith.muli %arg0, %mul3A_6 : i32
    %mul3A_8 = arith.constant 640 : i32
    %mul3A_9 = arith.muli %arg1, %mul3A_8 : i32
    %add3A = arith.addi %mul3A_7, %mul3A_9 : i32
    "tpu.region"() ({
      %run_scoped3A = tpu.sem_alloc : memref<!tpu.dma_semaphore, #tpu.memory_space<semaphore_mem>>
      %dma_start3A = arith.constant 0 : i32
      %dma_start3A_10 = tpu.memref_slice %arg6[%add3A, %dma_start3A] : memref<20480x128xf32, #tpu.memory_space<hbm>> -> memref<640x128xf32, #tpu.memory_space<hbm>>
      %dma_start3A_11 = arith.constant 0 : i32
      %dma_start3A_12 = tpu.memref_slice %arg7[%mul3A_0, %dma_start3A_11] : memref<10240x128xf32, #tpu.memory_space<vmem_shared>> -> memref<640x128xf32, #tpu.memory_space<vmem_shared>>
      tpu.enqueue_dma source(%dma_start3A_12 : memref<640x128xf32, #tpu.memory_space<vmem_shared>>) target(%dma_start3A_10 : memref<640x128xf32, #tpu.memory_space<hbm>>) target_semaphore(%run_scoped3A : memref<!tpu.dma_semaphore, #tpu.memory_space<semaphore_mem>>)
      %dma_wait3A = arith.constant 0 : i32
      %dma_wait3A_13 = tpu.memref_slice %arg6[%add3A, %dma_wait3A] : memref<20480x128xf32, #tpu.memory_space<hbm>> -> memref<640x128xf32, #tpu.memory_space<hbm>>
      %dma_wait3A_14 = arith.constant 0 : i32
      %dma_wait3A_15 = tpu.memref_slice %arg7[%mul3A_0, %dma_wait3A_14] : memref<10240x128xf32, #tpu.memory_space<vmem_shared>> -> memref<640x128xf32, #tpu.memory_space<vmem_shared>>
      tpu.wait_dma2 semaphore(%run_scoped3A : memref<!tpu.dma_semaphore, #tpu.memory_space<semaphore_mem>>) src(%dma_wait3A_15 : memref<640x128xf32, #tpu.memory_space<vmem_shared>>) dst(%dma_wait3A_13 : memref<640x128xf32, #tpu.memory_space<hbm>>)
      tpu.yield
    }) : () -> ()
    return
  }
}

#map = affine_map<(d0, d1) -> (0, 0)>
#map1 = affine_map<(d0, d1) -> (0, 0, 0, 0)>
module attributes {stable_mosaic.version = 14 : i64} {
  func.func @k(%arg0: i32, %arg1: i32, %arg2: memref<10240x128xf32, #tpu.memory_space<hbm>>, %arg3: memref<32x5x8x128xi32, #tpu.memory_space<hbm>>, %arg4: memref<32x5x8x128xi32, #tpu.memory_space<hbm>>, %arg5: memref<640x128xf32, #tpu.memory_space<hbm>>, %arg6: memref<20480x128xf32, #tpu.memory_space<hbm>>, %arg7: memref<10240x128xf32, #tpu.memory_space<vmem_shared>>, %arg8: memref<8x128xi32, #tpu.memory_space<vmem>>, %arg9: memref<8x128xi32, #tpu.memory_space<vmem>>, %arg10: memref<128x128xf32, #tpu.memory_space<vmem>>, %arg11: memref<128x128xf32, #tpu.memory_space<vmem>>, %arg12: memref<!tpu.dma_semaphore, #tpu.memory_space<semaphore_mem>>) attributes {dimension_semantics = [#tpu.dimension_semantics<core_parallel>, #tpu.dimension_semantics<subcore_parallel>], iteration_bounds = array<i64: 2, 16>, scalar_prefetch = 0 : i64, scratch_operands = 6 : i64, tpu.core_type = #tpu.core_type<sc_vector_subcore>, window_params = [{transform_indices = #map}, {transform_indices = #map1}, {transform_indices = #map1}, {transform_indices = #map}, {transform_indices = #map}]} {
    %mul3A = arith.constant 2 : i32
    %mul3A_0 = arith.muli %arg1, %mul3A : i32
    %add3A = arith.addi %mul3A_0, %arg0 : i32
    %mul3A_1 = arith.constant 640 : i32
    %mul3A_2 = arith.muli %arg1, %mul3A_1 : i32
    "tpu.region"() ({
      %run_scoped3A = tpu.sem_alloc : memref<!tpu.dma_semaphore, #tpu.memory_space<semaphore_mem>>
      %dma_start3A = arith.constant 0 : i32
      %dma_start3A_13 = tpu.memref_slice %arg7[%mul3A_2, %dma_start3A] : memref<10240x128xf32, #tpu.memory_space<vmem_shared>> -> memref<640x128xf32, #tpu.memory_space<vmem_shared>>
      tpu.enqueue_dma source(%arg5 : memref<640x128xf32, #tpu.memory_space<hbm>>) target(%dma_start3A_13 : memref<640x128xf32, #tpu.memory_space<vmem_shared>>) target_semaphore(%run_scoped3A : memref<!tpu.dma_semaphore, #tpu.memory_space<semaphore_mem>>)
      %dma_wait3A = arith.constant 0 : i32
      %dma_wait3A_14 = tpu.memref_slice %arg7[%mul3A_2, %dma_wait3A] : memref<10240x128xf32, #tpu.memory_space<vmem_shared>> -> memref<640x128xf32, #tpu.memory_space<vmem_shared>>
      tpu.wait_dma2 semaphore(%run_scoped3A : memref<!tpu.dma_semaphore, #tpu.memory_space<semaphore_mem>>) src(%arg5 : memref<640x128xf32, #tpu.memory_space<hbm>>) dst(%dma_wait3A_14 : memref<640x128xf32, #tpu.memory_space<vmem_shared>>)
      tpu.yield
    }) : () -> ()
    %barrier3A = arith.constant 0 : index
    tpu.barrier barrier_id(%barrier3A)
    %scan3A = arith.constant 0 : i32
    %scan3A_3 = arith.constant 5 : i32
    %scan3A_4 = arith.addi %scan3A, %scan3A_3 : i32
    %scan3A_5 = arith.constant 1 : i32
    scf.for %scan3A_13 = %scan3A to %scan3A_4 step %scan3A_5  : i32 {
      %mul3A_14 = arith.constant 1 : i32
      %mul3A_15 = arith.muli %scan3A_13, %mul3A_14 : i32
      %add3A_16 = arith.constant 0 : i32
      %add3A_17 = arith.addi %add3A_16, %mul3A_15 : i32
      "tpu.region"() ({
        %run_scoped3A = tpu.sem_alloc : memref<!tpu.dma_semaphore, #tpu.memory_space<semaphore_mem>>
        %dma_start3A_29 = arith.constant 0 : i32
        %dma_start3A_30 = arith.constant 0 : i32
        %dma_start3A_31 = tpu.memref_slice %arg3[%add3A, %add3A_17, %dma_start3A_29, %dma_start3A_30] : memref<32x5x8x128xi32, #tpu.memory_space<hbm>> -> memref<1x1x8x128xi32, #tpu.memory_space<hbm>>
        %dma_start3A_32 = tpu.memref_squeeze %dma_start3A_31 : memref<1x1x8x128xi32, #tpu.memory_space<hbm>> -> memref<8x128xi32, #tpu.memory_space<hbm>>
        %dma_start3A_33 = arith.constant 0 : i32
        %dma_start3A_34 = arith.constant 0 : i32
        %dma_start3A_35 = tpu.memref_slice %arg3[%add3A, %add3A_17, %dma_start3A_33, %dma_start3A_34] : memref<32x5x8x128xi32, #tpu.memory_space<hbm>> -> memref<1x1x8x128xi32, #tpu.memory_space<hbm>>
        %dma_start3A_36 = tpu.memref_squeeze %dma_start3A_35 : memref<1x1x8x128xi32, #tpu.memory_space<hbm>> -> memref<8x128xi32, #tpu.memory_space<hbm>>
        tpu.enqueue_dma source(%dma_start3A_36 : memref<8x128xi32, #tpu.memory_space<hbm>>) target(%arg8 : memref<8x128xi32, #tpu.memory_space<vmem>>) target_semaphore(%run_scoped3A : memref<!tpu.dma_semaphore, #tpu.memory_space<semaphore_mem>>)
        %dma_wait3A = arith.constant 0 : i32
        %dma_wait3A_37 = arith.constant 0 : i32
        %dma_wait3A_38 = tpu.memref_slice %arg3[%add3A, %add3A_17, %dma_wait3A, %dma_wait3A_37] : memref<32x5x8x128xi32, #tpu.memory_space<hbm>> -> memref<1x1x8x128xi32, #tpu.memory_space<hbm>>
        %dma_wait3A_39 = tpu.memref_squeeze %dma_wait3A_38 : memref<1x1x8x128xi32, #tpu.memory_space<hbm>> -> memref<8x128xi32, #tpu.memory_space<hbm>>
        %dma_wait3A_40 = arith.constant 0 : i32
        %dma_wait3A_41 = arith.constant 0 : i32
        %dma_wait3A_42 = tpu.memref_slice %arg3[%add3A, %add3A_17, %dma_wait3A_40, %dma_wait3A_41] : memref<32x5x8x128xi32, #tpu.memory_space<hbm>> -> memref<1x1x8x128xi32, #tpu.memory_space<hbm>>
        %dma_wait3A_43 = tpu.memref_squeeze %dma_wait3A_42 : memref<1x1x8x128xi32, #tpu.memory_space<hbm>> -> memref<8x128xi32, #tpu.memory_space<hbm>>
        tpu.wait_dma2 semaphore(%run_scoped3A : memref<!tpu.dma_semaphore, #tpu.memory_space<semaphore_mem>>) src(%dma_wait3A_43 : memref<8x128xi32, #tpu.memory_space<hbm>>) dst(%arg8 : memref<8x128xi32, #tpu.memory_space<vmem>>)
        tpu.yield
      }) : () -> ()
      "tpu.region"() ({
        %run_scoped3A = tpu.sem_alloc : memref<!tpu.dma_semaphore, #tpu.memory_space<semaphore_mem>>
        %dma_start3A_29 = arith.constant 0 : i32
        %dma_start3A_30 = arith.constant 0 : i32
        %dma_start3A_31 = tpu.memref_slice %arg4[%add3A, %add3A_17, %dma_start3A_29, %dma_start3A_30] : memref<32x5x8x128xi32, #tpu.memory_space<hbm>> -> memref<1x1x8x128xi32, #tpu.memory_space<hbm>>
        %dma_start3A_32 = tpu.memref_squeeze %dma_start3A_31 : memref<1x1x8x128xi32, #tpu.memory_space<hbm>> -> memref<8x128xi32, #tpu.memory_space<hbm>>
        %dma_start3A_33 = arith.constant 0 : i32
        %dma_start3A_34 = arith.constant 0 : i32
        %dma_start3A_35 = tpu.memref_slice %arg4[%add3A, %add3A_17, %dma_start3A_33, %dma_start3A_34] : memref<32x5x8x128xi32, #tpu.memory_space<hbm>> -> memref<1x1x8x128xi32, #tpu.memory_space<hbm>>
        %dma_start3A_36 = tpu.memref_squeeze %dma_start3A_35 : memref<1x1x8x128xi32, #tpu.memory_space<hbm>> -> memref<8x128xi32, #tpu.memory_space<hbm>>
        tpu.enqueue_dma source(%dma_start3A_36 : memref<8x128xi32, #tpu.memory_space<hbm>>) target(%arg9 : memref<8x128xi32, #tpu.memory_space<vmem>>) target_semaphore(%run_scoped3A : memref<!tpu.dma_semaphore, #tpu.memory_space<semaphore_mem>>)
        %dma_wait3A = arith.constant 0 : i32
        %dma_wait3A_37 = arith.constant 0 : i32
        %dma_wait3A_38 = tpu.memref_slice %arg4[%add3A, %add3A_17, %dma_wait3A, %dma_wait3A_37] : memref<32x5x8x128xi32, #tpu.memory_space<hbm>> -> memref<1x1x8x128xi32, #tpu.memory_space<hbm>>
        %dma_wait3A_39 = tpu.memref_squeeze %dma_wait3A_38 : memref<1x1x8x128xi32, #tpu.memory_space<hbm>> -> memref<8x128xi32, #tpu.memory_space<hbm>>
        %dma_wait3A_40 = arith.constant 0 : i32
        %dma_wait3A_41 = arith.constant 0 : i32
        %dma_wait3A_42 = tpu.memref_slice %arg4[%add3A, %add3A_17, %dma_wait3A_40, %dma_wait3A_41] : memref<32x5x8x128xi32, #tpu.memory_space<hbm>> -> memref<1x1x8x128xi32, #tpu.memory_space<hbm>>
        %dma_wait3A_43 = tpu.memref_squeeze %dma_wait3A_42 : memref<1x1x8x128xi32, #tpu.memory_space<hbm>> -> memref<8x128xi32, #tpu.memory_space<hbm>>
        tpu.wait_dma2 semaphore(%run_scoped3A : memref<!tpu.dma_semaphore, #tpu.memory_space<semaphore_mem>>) src(%dma_wait3A_43 : memref<8x128xi32, #tpu.memory_space<hbm>>) dst(%arg9 : memref<8x128xi32, #tpu.memory_space<vmem>>)
        tpu.yield
      }) : () -> ()
      %dma_start3A = arith.constant 0 : i32
      %dma_start3A_18 = arith.constant 0 : i32
      %dma_start3A_19 = tpu.memref_slice %arg8[%dma_start3A, %dma_start3A_18] : memref<8x128xi32, #tpu.memory_space<vmem>> -> memref<1x128xi32, #tpu.memory_space<vmem>>
      %dma_start3A_20 = tpu.memref_squeeze %dma_start3A_19 : memref<1x128xi32, #tpu.memory_space<vmem>> -> memref<128xi32, #tpu.memory_space<vmem>>
      %dma_start3A_21 = arith.constant 0 : i32
      %dma_start3A_22 = arith.constant 0 : i32
      %dma_start3A_23 = tpu.memref_slice %arg2[%dma_start3A_21, %dma_start3A_22] : memref<10240x128xf32, #tpu.memory_space<hbm>> -> memref<10240x128xf32, #tpu.memory_space<hbm>>
      tpu.enqueue_indirect_dma source(%dma_start3A_23 : memref<10240x128xf32, #tpu.memory_space<hbm>>) target(%arg10 : memref<128x128xf32, #tpu.memory_space<vmem>>) offsets(%dma_start3A_20 : memref<128xi32, #tpu.memory_space<vmem>>) semaphore(%arg12 : memref<!tpu.dma_semaphore, #tpu.memory_space<semaphore_mem>>)
      %scan3A_24 = arith.constant 0 : i32
      %scan3A_25 = arith.constant 4 : i32
      %scan3A_26 = arith.addi %scan3A_24, %scan3A_25 : i32
      %scan3A_27 = arith.constant 1 : i32
      scf.for %scan3A_29 = %scan3A_24 to %scan3A_26 step %scan3A_27  : i32 {
        %mul3A_30 = arith.constant 2 : i32
        %mul3A_31 = arith.muli %scan3A_29, %mul3A_30 : i32
        %add3A_32 = arith.constant 0 : i32
        %add3A_33 = arith.addi %add3A_32, %mul3A_31 : i32
        %dma_wait3A = arith.constant 0 : i32
        %dma_wait3A_34 = arith.constant 0 : i32
        %dma_wait3A_35 = tpu.memref_slice %arg8[%dma_wait3A, %dma_wait3A_34] : memref<8x128xi32, #tpu.memory_space<vmem>> -> memref<1x128xi32, #tpu.memory_space<vmem>>
        %dma_wait3A_36 = tpu.memref_squeeze %dma_wait3A_35 : memref<1x128xi32, #tpu.memory_space<vmem>> -> memref<128xi32, #tpu.memory_space<vmem>>
        %dma_wait3A_37 = arith.constant 0 : i32
        %dma_wait3A_38 = arith.constant 0 : i32
        %dma_wait3A_39 = tpu.memref_slice %arg2[%dma_wait3A_37, %dma_wait3A_38] : memref<10240x128xf32, #tpu.memory_space<hbm>> -> memref<10240x128xf32, #tpu.memory_space<hbm>>
        tpu.wait_indirect_dma semaphore(%arg12 : memref<!tpu.dma_semaphore, #tpu.memory_space<semaphore_mem>>) src(%dma_wait3A_39 : memref<10240x128xf32, #tpu.memory_space<hbm>>) dst(%arg10 : memref<128x128xf32, #tpu.memory_space<vmem>>)
        %add3A_40 = arith.constant 1 : i32
        %add3A_41 = arith.addi %add3A_33, %add3A_40 : i32
        %dma_start3A_42 = arith.constant 0 : i32
        %dma_start3A_43 = tpu.memref_slice %arg8[%add3A_41, %dma_start3A_42] : memref<8x128xi32, #tpu.memory_space<vmem>> -> memref<1x128xi32, #tpu.memory_space<vmem>>
        %dma_start3A_44 = tpu.memref_squeeze %dma_start3A_43 : memref<1x128xi32, #tpu.memory_space<vmem>> -> memref<128xi32, #tpu.memory_space<vmem>>
        %dma_start3A_45 = arith.constant 0 : i32
        %dma_start3A_46 = arith.constant 0 : i32
        %dma_start3A_47 = tpu.memref_slice %arg2[%dma_start3A_45, %dma_start3A_46] : memref<10240x128xf32, #tpu.memory_space<hbm>> -> memref<10240x128xf32, #tpu.memory_space<hbm>>
        tpu.enqueue_indirect_dma source(%dma_start3A_47 : memref<10240x128xf32, #tpu.memory_space<hbm>>) target(%arg11 : memref<128x128xf32, #tpu.memory_space<vmem>>) offsets(%dma_start3A_44 : memref<128xi32, #tpu.memory_space<vmem>>) semaphore(%arg12 : memref<!tpu.dma_semaphore, #tpu.memory_space<semaphore_mem>>)
        "tpu.region"() ({
          %run_scoped3A = tpu.sem_alloc : memref<!tpu.dma_semaphore, #tpu.memory_space<semaphore_mem>>
          %dma_start3A_61 = arith.constant 0 : i32
          %dma_start3A_62 = tpu.memref_slice %arg9[%add3A_33, %dma_start3A_61] : memref<8x128xi32, #tpu.memory_space<vmem>> -> memref<1x128xi32, #tpu.memory_space<vmem>>
          %dma_start3A_63 = tpu.memref_squeeze %dma_start3A_62 : memref<1x128xi32, #tpu.memory_space<vmem>> -> memref<128xi32, #tpu.memory_space<vmem>>
          %dma_start3A_64 = arith.constant 0 : i32
          %dma_start3A_65 = arith.constant 0 : i32
          %dma_start3A_66 = tpu.memref_slice %arg7[%dma_start3A_64, %dma_start3A_65] : memref<10240x128xf32, #tpu.memory_space<vmem_shared>> -> memref<10240x128xf32, #tpu.memory_space<vmem_shared>>
          tpu.enqueue_indirect_dma source(%arg10 : memref<128x128xf32, #tpu.memory_space<vmem>>) target(%dma_start3A_66 : memref<10240x128xf32, #tpu.memory_space<vmem_shared>>) offsets(%dma_start3A_63 : memref<128xi32, #tpu.memory_space<vmem>>) semaphore(%run_scoped3A : memref<!tpu.dma_semaphore, #tpu.memory_space<semaphore_mem>>) {add = true}
          %dma_wait3A_67 = arith.constant 0 : i32
          %dma_wait3A_68 = tpu.memref_slice %arg9[%add3A_33, %dma_wait3A_67] : memref<8x128xi32, #tpu.memory_space<vmem>> -> memref<1x128xi32, #tpu.memory_space<vmem>>
          %dma_wait3A_69 = tpu.memref_squeeze %dma_wait3A_68 : memref<1x128xi32, #tpu.memory_space<vmem>> -> memref<128xi32, #tpu.memory_space<vmem>>
          %dma_wait3A_70 = arith.constant 0 : i32
          %dma_wait3A_71 = arith.constant 0 : i32
          %dma_wait3A_72 = tpu.memref_slice %arg7[%dma_wait3A_70, %dma_wait3A_71] : memref<10240x128xf32, #tpu.memory_space<vmem_shared>> -> memref<10240x128xf32, #tpu.memory_space<vmem_shared>>
          tpu.wait_indirect_dma semaphore(%run_scoped3A : memref<!tpu.dma_semaphore, #tpu.memory_space<semaphore_mem>>) src(%arg10 : memref<128x128xf32, #tpu.memory_space<vmem>>) dst(%dma_wait3A_72 : memref<10240x128xf32, #tpu.memory_space<vmem_shared>>)
          tpu.yield
        }) : () -> ()
        %dma_wait3A_48 = arith.constant 0 : i32
        %dma_wait3A_49 = arith.constant 0 : i32
        %dma_wait3A_50 = tpu.memref_slice %arg8[%dma_wait3A_48, %dma_wait3A_49] : memref<8x128xi32, #tpu.memory_space<vmem>> -> memref<1x128xi32, #tpu.memory_space<vmem>>
        %dma_wait3A_51 = tpu.memref_squeeze %dma_wait3A_50 : memref<1x128xi32, #tpu.memory_space<vmem>> -> memref<128xi32, #tpu.memory_space<vmem>>
        %dma_wait3A_52 = arith.constant 0 : i32
        %dma_wait3A_53 = arith.constant 0 : i32
        %dma_wait3A_54 = tpu.memref_slice %arg2[%dma_wait3A_52, %dma_wait3A_53] : memref<10240x128xf32, #tpu.memory_space<hbm>> -> memref<10240x128xf32, #tpu.memory_space<hbm>>
        tpu.wait_indirect_dma semaphore(%arg12 : memref<!tpu.dma_semaphore, #tpu.memory_space<semaphore_mem>>) src(%dma_wait3A_54 : memref<10240x128xf32, #tpu.memory_space<hbm>>) dst(%arg11 : memref<128x128xf32, #tpu.memory_space<vmem>>)
        %add3A_55 = arith.constant 2 : i32
        %add3A_56 = arith.addi %add3A_33, %add3A_55 : i32
        %lt3A = arith.constant 8 : i32
        %lt3A_57 = arith.cmpi slt, %add3A_56, %lt3A : i32
        %convert_element_type3A = arith.extui %lt3A_57 : i1 to i32
        %cond3A = arith.constant 0 : i32
        %cond3A_58 = arith.cmpi ne, %convert_element_type3A, %cond3A : i32
        scf.if %cond3A_58 {
          %add3A_61 = arith.constant 2 : i32
          %add3A_62 = arith.addi %add3A_33, %add3A_61 : i32
          %dma_start3A_63 = arith.constant 0 : i32
          %dma_start3A_64 = tpu.memref_slice %arg8[%add3A_62, %dma_start3A_63] : memref<8x128xi32, #tpu.memory_space<vmem>> -> memref<1x128xi32, #tpu.memory_space<vmem>>
          %dma_start3A_65 = tpu.memref_squeeze %dma_start3A_64 : memref<1x128xi32, #tpu.memory_space<vmem>> -> memref<128xi32, #tpu.memory_space<vmem>>
          %dma_start3A_66 = arith.constant 0 : i32
          %dma_start3A_67 = arith.constant 0 : i32
          %dma_start3A_68 = tpu.memref_slice %arg2[%dma_start3A_66, %dma_start3A_67] : memref<10240x128xf32, #tpu.memory_space<hbm>> -> memref<10240x128xf32, #tpu.memory_space<hbm>>
          tpu.enqueue_indirect_dma source(%dma_start3A_68 : memref<10240x128xf32, #tpu.memory_space<hbm>>) target(%arg10 : memref<128x128xf32, #tpu.memory_space<vmem>>) offsets(%dma_start3A_65 : memref<128xi32, #tpu.memory_space<vmem>>) semaphore(%arg12 : memref<!tpu.dma_semaphore, #tpu.memory_space<semaphore_mem>>)
        } else {
        }
        %add3A_59 = arith.constant 1 : i32
        %add3A_60 = arith.addi %add3A_33, %add3A_59 : i32
        "tpu.region"() ({
          %run_scoped3A = tpu.sem_alloc : memref<!tpu.dma_semaphore, #tpu.memory_space<semaphore_mem>>
          %dma_start3A_61 = arith.constant 0 : i32
          %dma_start3A_62 = tpu.memref_slice %arg9[%add3A_60, %dma_start3A_61] : memref<8x128xi32, #tpu.memory_space<vmem>> -> memref<1x128xi32, #tpu.memory_space<vmem>>
          %dma_start3A_63 = tpu.memref_squeeze %dma_start3A_62 : memref<1x128xi32, #tpu.memory_space<vmem>> -> memref<128xi32, #tpu.memory_space<vmem>>
          %dma_start3A_64 = arith.constant 0 : i32
          %dma_start3A_65 = arith.constant 0 : i32
          %dma_start3A_66 = tpu.memref_slice %arg7[%dma_start3A_64, %dma_start3A_65] : memref<10240x128xf32, #tpu.memory_space<vmem_shared>> -> memref<10240x128xf32, #tpu.memory_space<vmem_shared>>
          tpu.enqueue_indirect_dma source(%arg11 : memref<128x128xf32, #tpu.memory_space<vmem>>) target(%dma_start3A_66 : memref<10240x128xf32, #tpu.memory_space<vmem_shared>>) offsets(%dma_start3A_63 : memref<128xi32, #tpu.memory_space<vmem>>) semaphore(%run_scoped3A : memref<!tpu.dma_semaphore, #tpu.memory_space<semaphore_mem>>) {add = true}
          %dma_wait3A_67 = arith.constant 0 : i32
          %dma_wait3A_68 = tpu.memref_slice %arg9[%add3A_60, %dma_wait3A_67] : memref<8x128xi32, #tpu.memory_space<vmem>> -> memref<1x128xi32, #tpu.memory_space<vmem>>
          %dma_wait3A_69 = tpu.memref_squeeze %dma_wait3A_68 : memref<1x128xi32, #tpu.memory_space<vmem>> -> memref<128xi32, #tpu.memory_space<vmem>>
          %dma_wait3A_70 = arith.constant 0 : i32
          %dma_wait3A_71 = arith.constant 0 : i32
          %dma_wait3A_72 = tpu.memref_slice %arg7[%dma_wait3A_70, %dma_wait3A_71] : memref<10240x128xf32, #tpu.memory_space<vmem_shared>> -> memref<10240x128xf32, #tpu.memory_space<vmem_shared>>
          tpu.wait_indirect_dma semaphore(%run_scoped3A : memref<!tpu.dma_semaphore, #tpu.memory_space<semaphore_mem>>) src(%arg11 : memref<128x128xf32, #tpu.memory_space<vmem>>) dst(%dma_wait3A_72 : memref<10240x128xf32, #tpu.memory_space<vmem_shared>>)
          tpu.yield
        }) : () -> ()
      }
      %scan3A_28 = arith.constant 4 : i32
    }
    %scan3A_6 = arith.constant 5 : i32
    %barrier3A_7 = arith.constant 0 : index
    tpu.barrier barrier_id(%barrier3A_7)
    %mul3A_8 = arith.constant 10240 : i32
    %mul3A_9 = arith.muli %arg0, %mul3A_8 : i32
    %mul3A_10 = arith.constant 640 : i32
    %mul3A_11 = arith.muli %arg1, %mul3A_10 : i32
    %add3A_12 = arith.addi %mul3A_9, %mul3A_11 : i32
    "tpu.region"() ({
      %run_scoped3A = tpu.sem_alloc : memref<!tpu.dma_semaphore, #tpu.memory_space<semaphore_mem>>
      %dma_start3A = arith.constant 0 : i32
      %dma_start3A_13 = tpu.memref_slice %arg6[%add3A_12, %dma_start3A] : memref<20480x128xf32, #tpu.memory_space<hbm>> -> memref<640x128xf32, #tpu.memory_space<hbm>>
      %dma_start3A_14 = arith.constant 0 : i32
      %dma_start3A_15 = tpu.memref_slice %arg7[%mul3A_2, %dma_start3A_14] : memref<10240x128xf32, #tpu.memory_space<vmem_shared>> -> memref<640x128xf32, #tpu.memory_space<vmem_shared>>
      tpu.enqueue_dma source(%dma_start3A_15 : memref<640x128xf32, #tpu.memory_space<vmem_shared>>) target(%dma_start3A_13 : memref<640x128xf32, #tpu.memory_space<hbm>>) target_semaphore(%run_scoped3A : memref<!tpu.dma_semaphore, #tpu.memory_space<semaphore_mem>>)
      %dma_wait3A = arith.constant 0 : i32
      %dma_wait3A_16 = tpu.memref_slice %arg6[%add3A_12, %dma_wait3A] : memref<20480x128xf32, #tpu.memory_space<hbm>> -> memref<640x128xf32, #tpu.memory_space<hbm>>
      %dma_wait3A_17 = arith.constant 0 : i32
      %dma_wait3A_18 = tpu.memref_slice %arg7[%mul3A_2, %dma_wait3A_17] : memref<10240x128xf32, #tpu.memory_space<vmem_shared>> -> memref<640x128xf32, #tpu.memory_space<vmem_shared>>
      tpu.wait_dma2 semaphore(%run_scoped3A : memref<!tpu.dma_semaphore, #tpu.memory_space<semaphore_mem>>) src(%dma_wait3A_18 : memref<640x128xf32, #tpu.memory_space<vmem_shared>>) dst(%dma_wait3A_16 : memref<640x128xf32, #tpu.memory_space<hbm>>)
      tpu.yield
    }) : () -> ()
    return
  }
}

module attributes {stable_mosaic.version = 14 : i64} {
  func.func @body(%arg0: i32, %arg1: memref<1024x128xf32, #tpu.memory_space<vmem>>, %arg2: memref<1024x128xf32, #tpu.memory_space<vmem>>, %arg3: memref<1024x32xf32, #tpu.memory_space<vmem>>, %arg4: memref<1024x256xf32, #tpu.memory_space<vmem>>, %arg5: memref<256x256xf32, #tpu.memory_space<vmem>>, %arg6: memref<256x256xf32, #tpu.memory_space<vmem>>, %arg7: memref<1x256xf32, #tpu.memory_space<vmem>>, %arg8: memref<256x128xf32, #tpu.memory_space<vmem>>, %arg9: memref<256x128xf32, #tpu.memory_space<vmem>>, %arg10: memref<1x128xf32, #tpu.memory_space<vmem>>, %arg11: memref<1024x128xf32, #tpu.memory_space<vmem>>, %arg12: memref<1024x128xf32, #tpu.memory_space<vmem>>) attributes {dimension_semantics = [#tpu.dimension_semantics<arbitrary>], iteration_bounds = array<i64: 10>, scalar_prefetch = 0 : i64, scratch_operands = 0 : i64, tpu.core_type = #tpu.core_type<tc>, window_params = [{transform_indices = @transform_0, window_bounds = array<i64: 1024, 128>}, {transform_indices = @transform_1, window_bounds = array<i64: 1024, 128>}, {transform_indices = @transform_2, window_bounds = array<i64: 1024, 32>}, {transform_indices = @transform_3, window_bounds = array<i64: 1024, 256>}, {pipeline_mode = #tpu.pipeline_mode<synchronous>, transform_indices = @transform_4, window_bounds = array<i64: 256, 256>}, {pipeline_mode = #tpu.pipeline_mode<synchronous>, transform_indices = @transform_5, window_bounds = array<i64: 256, 256>}, {pipeline_mode = #tpu.pipeline_mode<synchronous>, transform_indices = @transform_6, window_bounds = array<i64: 1, 256>}, {pipeline_mode = #tpu.pipeline_mode<synchronous>, transform_indices = @transform_7, window_bounds = array<i64: 256, 128>}, {pipeline_mode = #tpu.pipeline_mode<synchronous>, transform_indices = @transform_8, window_bounds = array<i64: 256, 128>}, {pipeline_mode = #tpu.pipeline_mode<synchronous>, transform_indices = @transform_9, window_bounds = array<i64: 1, 128>}, {transform_indices = @transform_10, window_bounds = array<i64: 1024, 128>}, {transform_indices = @transform_11, window_bounds = array<i64: 1024, 128>}]} {
    %get3A = arith.constant 0 : index
    %get3A_0 = arith.constant 0 : index
    %get3A_1 = vector.load %arg3[%get3A, %get3A_0] : memref<1024x32xf32, #tpu.memory_space<vmem>>, vector<1024x32xf32>
    %reduce_sum3A = arith.constant dense<0.000000e+00> : vector<1024xf32>
    %reduce_sum3A_2 = vector.multi_reduction <add>, %get3A_1, %reduce_sum3A [1] : vector<1024x32xf32> to vector<1024xf32>
    %broadcast_in_dim3A = vector.shape_cast %reduce_sum3A_2 : vector<1024xf32> to vector<1024x1xf32>
    %max3A = arith.constant 1.000000e+00 : f32
    %max3A_3 = vector.broadcast %max3A : f32 to vector<1024x1xf32>
    %max3A_4 = arith.maximumf %broadcast_in_dim3A, %max3A_3 : vector<1024x1xf32>
    %div3A = arith.constant 1.000000e+00 : f32
    %div3A_5 = vector.broadcast %div3A : f32 to vector<1024x1xf32>
    %div3A_6 = arith.divf %div3A_5, %max3A_4 : vector<1024x1xf32>
    %get3A_7 = arith.constant 0 : index
    %get3A_8 = arith.constant 0 : index
    %get3A_9 = vector.load %arg1[%get3A_7, %get3A_8] : memref<1024x128xf32, #tpu.memory_space<vmem>>, vector<1024x128xf32>
    %mul3A = vector.broadcast %div3A_6 : vector<1024x1xf32> to vector<1024x128xf32>
    %mul3A_10 = arith.mulf %get3A_9, %mul3A : vector<1024x128xf32>
    %get3A_11 = arith.constant 0 : index
    %get3A_12 = arith.constant 0 : index
    %get3A_13 = vector.load %arg5[%get3A_11, %get3A_12] : memref<256x256xf32, #tpu.memory_space<vmem>>, vector<128x256xf32>
    %dot_general3A = arith.constant dense<0.000000e+00> : vector<1024x256xf32>
    %dot_general3A_14 = tpu.matmul %mul3A_10, %get3A_13, %dot_general3A {dimension_numbers = #tpu.dot_dimension_numbers<[1], [0], [0], [1], [0, 0, 1, 1], [], []>, transpose_lhs_hint = false} : vector<1024x128xf32>, vector<128x256xf32>, vector<1024x256xf32> -> vector<1024x256xf32>
    %get3A_15 = arith.constant 0 : index
    %get3A_16 = arith.constant 0 : index
    %get3A_17 = vector.load %arg2[%get3A_15, %get3A_16] : memref<1024x128xf32, #tpu.memory_space<vmem>>, vector<1024x128xf32>
    %mul3A_18 = vector.broadcast %div3A_6 : vector<1024x1xf32> to vector<1024x128xf32>
    %mul3A_19 = arith.mulf %get3A_17, %mul3A_18 : vector<1024x128xf32>
    %get3A_20 = arith.constant 128 : index
    %get3A_21 = arith.constant 0 : index
    %get3A_22 = vector.load %arg5[%get3A_20, %get3A_21] : memref<256x256xf32, #tpu.memory_space<vmem>>, vector<128x256xf32>
    %dot_general3A_23 = arith.constant dense<0.000000e+00> : vector<1024x256xf32>
    %dot_general3A_24 = tpu.matmul %mul3A_19, %get3A_22, %dot_general3A_23 {dimension_numbers = #tpu.dot_dimension_numbers<[1], [0], [0], [1], [0, 0, 1, 1], [], []>, transpose_lhs_hint = false} : vector<1024x128xf32>, vector<128x256xf32>, vector<1024x256xf32> -> vector<1024x256xf32>
    %add3A = arith.addf %dot_general3A_14, %dot_general3A_24 : vector<1024x256xf32>
    %get3A_25 = arith.constant 0 : index
    %get3A_26 = arith.constant 0 : index
    %get3A_27 = vector.load %arg4[%get3A_25, %get3A_26] : memref<1024x256xf32, #tpu.memory_space<vmem>>, vector<1024x256xf32>
    %get3A_28 = arith.constant 0 : index
    %get3A_29 = arith.constant 0 : index
    %get3A_30 = vector.load %arg6[%get3A_28, %get3A_29] : memref<256x256xf32, #tpu.memory_space<vmem>>, vector<256x256xf32>
    %dot_general3A_31 = arith.constant dense<0.000000e+00> : vector<1024x256xf32>
    %dot_general3A_32 = tpu.matmul %get3A_27, %get3A_30, %dot_general3A_31 {dimension_numbers = #tpu.dot_dimension_numbers<[1], [0], [0], [1], [0, 0, 1, 1], [], []>, transpose_lhs_hint = false} : vector<1024x256xf32>, vector<256x256xf32>, vector<1024x256xf32> -> vector<1024x256xf32>
    %add3A_33 = arith.addf %add3A, %dot_general3A_32 : vector<1024x256xf32>
    %get3A_34 = arith.constant 0 : index
    %get3A_35 = arith.constant 0 : index
    %get3A_36 = vector.load %arg7[%get3A_34, %get3A_35] : memref<1x256xf32, #tpu.memory_space<vmem>>, vector<1x256xf32>
    %add3A_37 = vector.broadcast %get3A_36 : vector<1x256xf32> to vector<1024x256xf32>
    %add3A_38 = arith.addf %add3A_33, %add3A_37 : vector<1024x256xf32>
    %mul3A_39 = arith.mulf %add3A_38, %add3A_38 : vector<1024x256xf32>
    %reduce_sum3A_40 = arith.constant dense<0.000000e+00> : vector<1024xf32>
    %reduce_sum3A_41 = vector.multi_reduction <add>, %mul3A_39, %reduce_sum3A_40 [1] : vector<1024x256xf32> to vector<1024xf32>
    %broadcast_in_dim3A_42 = vector.shape_cast %reduce_sum3A_41 : vector<1024xf32> to vector<1024x1xf32>
    %sqrt3A = math.sqrt %broadcast_in_dim3A_42 : vector<1024x1xf32>
    %max3A_43 = arith.constant 9.99999996E-13 : f32
    %max3A_44 = vector.broadcast %max3A_43 : f32 to vector<1024x1xf32>
    %max3A_45 = arith.maximumf %sqrt3A, %max3A_44 : vector<1024x1xf32>
    %div3A_46 = vector.broadcast %max3A_45 : vector<1024x1xf32> to vector<1024x256xf32>
    %div3A_47 = arith.divf %add3A_38, %div3A_46 : vector<1024x256xf32>
    %max3A_48 = arith.constant 0.000000e+00 : f32
    %max3A_49 = vector.broadcast %max3A_48 : f32 to vector<1024x256xf32>
    %max3A_50 = arith.maximumf %div3A_47, %max3A_49 : vector<1024x256xf32>
    %get3A_51 = arith.constant 0 : index
    %get3A_52 = arith.constant 0 : index
    %get3A_53 = vector.load %arg8[%get3A_51, %get3A_52] : memref<256x128xf32, #tpu.memory_space<vmem>>, vector<256x128xf32>
    %dot_general3A_54 = arith.constant dense<0.000000e+00> : vector<1024x128xf32>
    %dot_general3A_55 = tpu.matmul %max3A_50, %get3A_53, %dot_general3A_54 {dimension_numbers = #tpu.dot_dimension_numbers<[1], [0], [0], [1], [0, 0, 1, 1], [], []>, transpose_lhs_hint = false} : vector<1024x256xf32>, vector<256x128xf32>, vector<1024x128xf32> -> vector<1024x128xf32>
    %swap3A = arith.constant 0 : index
    %swap3A_56 = arith.constant 0 : index
    %swap3A_57 = vector.load %arg11[%swap3A, %swap3A_56] : memref<1024x128xf32, #tpu.memory_space<vmem>>, vector<1024x128xf32>
    tpu.vector_store %arg11[%swap3A, %swap3A_56], %dot_general3A_55 {strides = array<i32>} : memref<1024x128xf32, #tpu.memory_space<vmem>>, vector<1024x128xf32>,
    %get3A_58 = arith.constant 0 : index
    %get3A_59 = arith.constant 0 : index
    %get3A_60 = vector.load %arg9[%get3A_58, %get3A_59] : memref<256x128xf32, #tpu.memory_space<vmem>>, vector<256x128xf32>
    %dot_general3A_61 = arith.constant dense<0.000000e+00> : vector<1024x128xf32>
    %dot_general3A_62 = tpu.matmul %max3A_50, %get3A_60, %dot_general3A_61 {dimension_numbers = #tpu.dot_dimension_numbers<[1], [0], [0], [1], [0, 0, 1, 1], [], []>, transpose_lhs_hint = false} : vector<1024x256xf32>, vector<256x128xf32>, vector<1024x128xf32> -> vector<1024x128xf32>
    %get3A_63 = arith.constant 0 : index
    %get3A_64 = arith.constant 0 : index
    %get3A_65 = vector.load %arg10[%get3A_63, %get3A_64] : memref<1x128xf32, #tpu.memory_space<vmem>>, vector<1x128xf32>
    %add3A_66 = vector.broadcast %get3A_65 : vector<1x128xf32> to vector<1024x128xf32>
    %add3A_67 = arith.addf %dot_general3A_62, %add3A_66 : vector<1024x128xf32>
    %swap3A_68 = arith.constant 0 : index
    %swap3A_69 = arith.constant 0 : index
    %swap3A_70 = vector.load %arg12[%swap3A_68, %swap3A_69] : memref<1024x128xf32, #tpu.memory_space<vmem>>, vector<1024x128xf32>
    tpu.vector_store %arg12[%swap3A_68, %swap3A_69], %add3A_67 {strides = array<i32>} : memref<1024x128xf32, #tpu.memory_space<vmem>>, vector<1024x128xf32>,
    return
  }
  func.func @transform_0(%arg0: i32) -> (i32, i32) {
    %c0_i32 = arith.constant 0 : i32
    %c0_i32_0 = arith.constant 0 : i32
    return %arg0, %c0_i32 : i32, i32
  }
  func.func @transform_1(%arg0: i32) -> (i32, i32) {
    %add3A = arith.constant 10 : i32
    %add3A_0 = arith.addi %arg0, %add3A : i32
    %c0_i32 = arith.constant 0 : i32
    %c0_i32_1 = arith.constant 0 : i32
    return %add3A_0, %c0_i32 : i32, i32
  }
  func.func @transform_2(%arg0: i32) -> (i32, i32) {
    %c0_i32 = arith.constant 0 : i32
    %c0_i32_0 = arith.constant 0 : i32
    return %arg0, %c0_i32 : i32, i32
  }
  func.func @transform_3(%arg0: i32) -> (i32, i32) {
    %c0_i32 = arith.constant 0 : i32
    %c0_i32_0 = arith.constant 0 : i32
    return %arg0, %c0_i32 : i32, i32
  }
  func.func @transform_4(%arg0: i32) -> (i32, i32) {
    %c0_i32 = arith.constant 0 : i32
    %c0_i32_0 = arith.constant 0 : i32
    %c0_i32_1 = arith.constant 0 : i32
    return %c0_i32, %c0_i32_0 : i32, i32
  }
  func.func @transform_5(%arg0: i32) -> (i32, i32) {
    %c0_i32 = arith.constant 0 : i32
    %c0_i32_0 = arith.constant 0 : i32
    %c0_i32_1 = arith.constant 0 : i32
    return %c0_i32, %c0_i32_0 : i32, i32
  }
  func.func @transform_6(%arg0: i32) -> (i32, i32) {
    %c0_i32 = arith.constant 0 : i32
    %c0_i32_0 = arith.constant 0 : i32
    %c0_i32_1 = arith.constant 0 : i32
    return %c0_i32, %c0_i32_0 : i32, i32
  }
  func.func @transform_7(%arg0: i32) -> (i32, i32) {
    %c0_i32 = arith.constant 0 : i32
    %c0_i32_0 = arith.constant 0 : i32
    %c0_i32_1 = arith.constant 0 : i32
    return %c0_i32, %c0_i32_0 : i32, i32
  }
  func.func @transform_8(%arg0: i32) -> (i32, i32) {
    %c0_i32 = arith.constant 0 : i32
    %c0_i32_0 = arith.constant 0 : i32
    %c0_i32_1 = arith.constant 0 : i32
    return %c0_i32, %c0_i32_0 : i32, i32
  }
  func.func @transform_9(%arg0: i32) -> (i32, i32) {
    %c0_i32 = arith.constant 0 : i32
    %c0_i32_0 = arith.constant 0 : i32
    %c0_i32_1 = arith.constant 0 : i32
    return %c0_i32, %c0_i32_0 : i32, i32
  }
  func.func @transform_10(%arg0: i32) -> (i32, i32) {
    %c0_i32 = arith.constant 0 : i32
    %c0_i32_0 = arith.constant 0 : i32
    return %arg0, %c0_i32 : i32, i32
  }
  func.func @transform_11(%arg0: i32) -> (i32, i32) {
    %c0_i32 = arith.constant 0 : i32
    %c0_i32_0 = arith.constant 0 : i32
    return %arg0, %c0_i32 : i32, i32
  }
}

module attributes {stable_mosaic.version = 14 : i64} {
  func.func @body(%arg0: i32, %arg1: memref<1024x128xf32, #tpu.memory_space<vmem>>, %arg2: memref<1024x128xf32, #tpu.memory_space<vmem>>, %arg3: memref<1024x32xf32, #tpu.memory_space<vmem>>, %arg4: memref<1024x128xf32, #tpu.memory_space<vmem>>, %arg5: memref<1024x1xf32, #tpu.memory_space<vmem>>, %arg6: memref<128x2xf32, #tpu.memory_space<vmem>>, %arg7: memref<1x2xf32, #tpu.memory_space<vmem>>, %arg8: memref<64x2xf32, #tpu.memory_space<vmem>>, %arg9: memref<64x128xf32, #tpu.memory_space<vmem>>, %arg10: memref<64x128xf32, #tpu.memory_space<vmem>>) attributes {dimension_semantics = [#tpu.dimension_semantics<arbitrary>], iteration_bounds = array<i64: 10>, scalar_prefetch = 0 : i64, scratch_operands = 2 : i64, tpu.core_type = #tpu.core_type<tc>, window_params = [{transform_indices = @transform_0, window_bounds = array<i64: 1024, 128>}, {transform_indices = @transform_1, window_bounds = array<i64: 1024, 128>}, {transform_indices = @transform_2, window_bounds = array<i64: 1024, 32>}, {transform_indices = @transform_3, window_bounds = array<i64: 1024, 128>}, {transform_indices = @transform_4, window_bounds = array<i64: 1024, 1>}, {pipeline_mode = #tpu.pipeline_mode<synchronous>, transform_indices = @transform_5, window_bounds = array<i64: 128, 2>}, {pipeline_mode = #tpu.pipeline_mode<synchronous>, transform_indices = @transform_6, window_bounds = array<i64: 1, 2>}, {pipeline_mode = #tpu.pipeline_mode<synchronous>, transform_indices = @transform_7, window_bounds = array<i64: 64, 2>}]} {
    %eq3A = arith.constant 0 : i32
    %eq3A_0 = arith.cmpi eq, %arg0, %eq3A : i32
    %convert_element_type3A = arith.extui %eq3A_0 : i1 to i32
    %cond3A = arith.constant 0 : i32
    %cond3A_1 = arith.cmpi ne, %convert_element_type3A, %cond3A : i32
    scf.if %cond3A_1 {
      %broadcast_in_dim3A_60 = arith.constant 0.000000e+00 : f32
      %broadcast_in_dim3A_61 = vector.broadcast %broadcast_in_dim3A_60 : f32 to vector<64x128xf32>
      %swap3A_62 = arith.constant 0 : index
      %swap3A_63 = arith.constant 0 : index
      %swap3A_64 = vector.load %arg9[%swap3A_62, %swap3A_63] : memref<64x128xf32, #tpu.memory_space<vmem>>, vector<64x128xf32>
      tpu.vector_store %arg9[%swap3A_62, %swap3A_63], %broadcast_in_dim3A_61 {strides = array<i32>} : memref<64x128xf32, #tpu.memory_space<vmem>>, vector<64x128xf32>,
      %broadcast_in_dim3A_65 = arith.constant 0.000000e+00 : f32
      %broadcast_in_dim3A_66 = vector.broadcast %broadcast_in_dim3A_65 : f32 to vector<64x128xf32>
      %swap3A_67 = arith.constant 0 : index
      %swap3A_68 = arith.constant 0 : index
      %swap3A_69 = vector.load %arg10[%swap3A_67, %swap3A_68] : memref<64x128xf32, #tpu.memory_space<vmem>>, vector<64x128xf32>
      tpu.vector_store %arg10[%swap3A_67, %swap3A_68], %broadcast_in_dim3A_66 {strides = array<i32>} : memref<64x128xf32, #tpu.memory_space<vmem>>, vector<64x128xf32>,
    } else {
    }
    %get3A = arith.constant 0 : index
    %get3A_2 = arith.constant 0 : index
    %get3A_3 = vector.load %arg3[%get3A, %get3A_2] : memref<1024x32xf32, #tpu.memory_space<vmem>>, vector<1024x32xf32>
    %reduce_sum3A = arith.constant dense<0.000000e+00> : vector<1024xf32>
    %reduce_sum3A_4 = vector.multi_reduction <add>, %get3A_3, %reduce_sum3A [1] : vector<1024x32xf32> to vector<1024xf32>
    %broadcast_in_dim3A = vector.shape_cast %reduce_sum3A_4 : vector<1024xf32> to vector<1024x1xf32>
    %max3A = arith.constant 1.000000e+00 : f32
    %max3A_5 = vector.broadcast %max3A : f32 to vector<1024x1xf32>
    %max3A_6 = arith.maximumf %broadcast_in_dim3A, %max3A_5 : vector<1024x1xf32>
    %div3A = arith.constant 1.000000e+00 : f32
    %div3A_7 = vector.broadcast %div3A : f32 to vector<1024x1xf32>
    %div3A_8 = arith.divf %div3A_7, %max3A_6 : vector<1024x1xf32>
    %get3A_9 = arith.constant 0 : index
    %get3A_10 = arith.constant 0 : index
    %get3A_11 = vector.load %arg1[%get3A_9, %get3A_10] : memref<1024x128xf32, #tpu.memory_space<vmem>>, vector<1024x128xf32>
    %get3A_12 = arith.constant 0 : index
    %get3A_13 = arith.constant 0 : index
    %get3A_14 = vector.load %arg2[%get3A_12, %get3A_13] : memref<1024x128xf32, #tpu.memory_space<vmem>>, vector<1024x128xf32>
    %add3A = arith.addf %get3A_11, %get3A_14 : vector<1024x128xf32>
    %mul3A = vector.broadcast %div3A_8 : vector<1024x1xf32> to vector<1024x128xf32>
    %mul3A_15 = arith.mulf %add3A, %mul3A : vector<1024x128xf32>
    %get3A_16 = arith.constant 0 : index
    %get3A_17 = arith.constant 0 : index
    %get3A_18 = vector.load %arg4[%get3A_16, %get3A_17] : memref<1024x128xf32, #tpu.memory_space<vmem>>, vector<1024x128xf32>
    %add3A_19 = arith.addf %mul3A_15, %get3A_18 : vector<1024x128xf32>
    %mul3A_20 = arith.mulf %add3A_19, %add3A_19 : vector<1024x128xf32>
    %reduce_sum3A_21 = arith.constant dense<0.000000e+00> : vector<1024xf32>
    %reduce_sum3A_22 = vector.multi_reduction <add>, %mul3A_20, %reduce_sum3A_21 [1] : vector<1024x128xf32> to vector<1024xf32>
    %broadcast_in_dim3A_23 = vector.shape_cast %reduce_sum3A_22 : vector<1024xf32> to vector<1024x1xf32>
    %sqrt3A = math.sqrt %broadcast_in_dim3A_23 : vector<1024x1xf32>
    %max3A_24 = arith.constant 9.99999996E-13 : f32
    %max3A_25 = vector.broadcast %max3A_24 : f32 to vector<1024x1xf32>
    %max3A_26 = arith.maximumf %sqrt3A, %max3A_25 : vector<1024x1xf32>
    %div3A_27 = vector.broadcast %max3A_26 : vector<1024x1xf32> to vector<1024x128xf32>
    %div3A_28 = arith.divf %add3A_19, %div3A_27 : vector<1024x128xf32>
    %iota3A = tpu.iota {dimensions = array<i32: 1>} : vector<1024x64xi32>
    %convert_element_type3A_29 = arith.sitofp %iota3A : vector<1024x64xi32> to vector<1024x64xf32>
    %get3A_30 = arith.constant 0 : index
    %get3A_31 = arith.constant 0 : index
    %get3A_32 = vector.load %arg5[%get3A_30, %get3A_31] : memref<1024x1xf32, #tpu.memory_space<vmem>>, vector<1024x1xf32>
    %eq3A_33 = vector.broadcast %get3A_32 : vector<1024x1xf32> to vector<1024x64xf32>
    %eq3A_34 = arith.cmpf oeq, %eq3A_33, %convert_element_type3A_29 : vector<1024x64xf32>
    %convert_element_type3A_35 = arith.extui %eq3A_34 : vector<1024x64xi1> to vector<1024x64xi32>
    %convert_element_type3A_36 = arith.sitofp %convert_element_type3A_35 : vector<1024x64xi32> to vector<1024x64xf32>
    %get3A_37 = arith.constant 0 : index
    %get3A_38 = arith.constant 0 : index
    %get3A_39 = vector.load %arg9[%get3A_37, %get3A_38] : memref<64x128xf32, #tpu.memory_space<vmem>>, vector<64x128xf32>
    %dot_general3A = arith.constant dense<0.000000e+00> : vector<64x128xf32>
    %dot_general3A_40 = tpu.matmul %convert_element_type3A_36, %div3A_28, %dot_general3A {dimension_numbers = #tpu.dot_dimension_numbers<[0], [0], [1], [1], [0, 1, 1, 1], [], []>, transpose_lhs_hint = false} : vector<1024x64xf32>, vector<1024x128xf32>, vector<64x128xf32> -> vector<64x128xf32>
    %add3A_41 = arith.addf %get3A_39, %dot_general3A_40 : vector<64x128xf32>
    %swap3A = arith.constant 0 : index
    %swap3A_42 = arith.constant 0 : index
    %swap3A_43 = vector.load %arg9[%swap3A, %swap3A_42] : memref<64x128xf32, #tpu.memory_space<vmem>>, vector<64x128xf32>
    tpu.vector_store %arg9[%swap3A, %swap3A_42], %add3A_41 {strides = array<i32>} : memref<64x128xf32, #tpu.memory_space<vmem>>, vector<64x128xf32>,
    %get3A_44 = arith.constant 0 : index
    %get3A_45 = arith.constant 0 : index
    %get3A_46 = vector.load %arg10[%get3A_44, %get3A_45] : memref<64x128xf32, #tpu.memory_space<vmem>>, vector<64x128xf32>
    %broadcast_in_dim3A_47 = arith.constant 1.000000e+00 : f32
    %broadcast_in_dim3A_48 = vector.broadcast %broadcast_in_dim3A_47 : f32 to vector<1024x128xf32>
    %dot_general3A_49 = arith.constant dense<0.000000e+00> : vector<64x128xf32>
    %dot_general3A_50 = tpu.matmul %convert_element_type3A_36, %broadcast_in_dim3A_48, %dot_general3A_49 {dimension_numbers = #tpu.dot_dimension_numbers<[0], [0], [1], [1], [0, 1, 1, 1], [], []>, transpose_lhs_hint = false} : vector<1024x64xf32>, vector<1024x128xf32>, vector<64x128xf32> -> vector<64x128xf32>
    %add3A_51 = arith.addf %get3A_46, %dot_general3A_50 : vector<64x128xf32>
    %swap3A_52 = arith.constant 0 : index
    %swap3A_53 = arith.constant 0 : index
    %swap3A_54 = vector.load %arg10[%swap3A_52, %swap3A_53] : memref<64x128xf32, #tpu.memory_space<vmem>>, vector<64x128xf32>
    tpu.vector_store %arg10[%swap3A_52, %swap3A_53], %add3A_51 {strides = array<i32>} : memref<64x128xf32, #tpu.memory_space<vmem>>, vector<64x128xf32>,
    %eq3A_55 = arith.constant 9 : i32
    %eq3A_56 = arith.cmpi eq, %arg0, %eq3A_55 : i32
    %convert_element_type3A_57 = arith.extui %eq3A_56 : i1 to i32
    %cond3A_58 = arith.constant 0 : i32
    %cond3A_59 = arith.cmpi ne, %convert_element_type3A_57, %cond3A_58 : i32
    scf.if %cond3A_59 {
      %get3A_60 = arith.constant 0 : index
      %get3A_61 = arith.constant 0 : index
      %get3A_62 = vector.load %arg9[%get3A_60, %get3A_61] : memref<64x128xf32, #tpu.memory_space<vmem>>, vector<64x128xf32>
      %get3A_63 = arith.constant 0 : index
      %get3A_64 = arith.constant 0 : index
      %get3A_65 = vector.load %arg10[%get3A_63, %get3A_64] : memref<64x128xf32, #tpu.memory_space<vmem>>, vector<64x128xf32>
      %max3A_66 = arith.constant 1.000000e+00 : f32
      %max3A_67 = vector.broadcast %max3A_66 : f32 to vector<64x128xf32>
      %max3A_68 = arith.maximumf %get3A_65, %max3A_67 : vector<64x128xf32>
      %div3A_69 = arith.divf %get3A_62, %max3A_68 : vector<64x128xf32>
      %get3A_70 = arith.constant 0 : index
      %get3A_71 = arith.constant 0 : index
      %get3A_72 = vector.load %arg6[%get3A_70, %get3A_71] : memref<128x2xf32, #tpu.memory_space<vmem>>, vector<128x2xf32>
      %dot_general3A_73 = arith.constant dense<0.000000e+00> : vector<64x2xf32>
      %dot_general3A_74 = tpu.matmul %div3A_69, %get3A_72, %dot_general3A_73 {dimension_numbers = #tpu.dot_dimension_numbers<[1], [0], [0], [1], [0, 0, 1, 1], [], []>, transpose_lhs_hint = false} : vector<64x128xf32>, vector<128x2xf32>, vector<64x2xf32> -> vector<64x2xf32>
      %get3A_75 = arith.constant 0 : index
      %get3A_76 = arith.constant 0 : index
      %get3A_77 = vector.load %arg7[%get3A_75, %get3A_76] : memref<1x2xf32, #tpu.memory_space<vmem>>, vector<1x2xf32>
      %add3A_78 = vector.broadcast %get3A_77 : vector<1x2xf32> to vector<64x2xf32>
      %add3A_79 = arith.addf %dot_general3A_74, %add3A_78 : vector<64x2xf32>
      %reduce_max3A = arith.constant dense<0xFF800000> : vector<64xf32>
      %reduce_max3A_80 = vector.multi_reduction <maximumf>, %add3A_79, %reduce_max3A [1] : vector<64x2xf32> to vector<64xf32>
      %broadcast_in_dim3A_81 = vector.shape_cast %reduce_max3A_80 : vector<64xf32> to vector<64x1xf32>
      %sub3A = vector.broadcast %broadcast_in_dim3A_81 : vector<64x1xf32> to vector<64x2xf32>
      %sub3A_82 = arith.subf %add3A_79, %sub3A : vector<64x2xf32>
      %exp3A = math.exp %sub3A_82 : vector<64x2xf32>
      %reduce_sum3A_83 = arith.constant dense<0.000000e+00> : vector<64xf32>
      %reduce_sum3A_84 = vector.multi_reduction <add>, %exp3A, %reduce_sum3A_83 [1] : vector<64x2xf32> to vector<64xf32>
      %broadcast_in_dim3A_85 = vector.shape_cast %reduce_sum3A_84 : vector<64xf32> to vector<64x1xf32>
      %div3A_86 = vector.broadcast %broadcast_in_dim3A_85 : vector<64x1xf32> to vector<64x2xf32>
      %div3A_87 = arith.divf %exp3A, %div3A_86 : vector<64x2xf32>
      %swap3A_88 = arith.constant 0 : index
      %swap3A_89 = arith.constant 0 : index
      %swap3A_90 = vector.load %arg8[%swap3A_88, %swap3A_89] : memref<64x2xf32, #tpu.memory_space<vmem>>, vector<64x2xf32>
      tpu.vector_store %arg8[%swap3A_88, %swap3A_89], %div3A_87 {strides = array<i32>} : memref<64x2xf32, #tpu.memory_space<vmem>>, vector<64x2xf32>,
    } else {
    }
    return
  }
  func.func @transform_0(%arg0: i32) -> (i32, i32) {
    %c0_i32 = arith.constant 0 : i32
    %c0_i32_0 = arith.constant 0 : i32
    return %arg0, %c0_i32 : i32, i32
  }
  func.func @transform_1(%arg0: i32) -> (i32, i32) {
    %add3A = arith.constant 10 : i32
    %add3A_0 = arith.addi %arg0, %add3A : i32
    %c0_i32 = arith.constant 0 : i32
    %c0_i32_1 = arith.constant 0 : i32
    return %add3A_0, %c0_i32 : i32, i32
  }
  func.func @transform_2(%arg0: i32) -> (i32, i32) {
    %c0_i32 = arith.constant 0 : i32
    %c0_i32_0 = arith.constant 0 : i32
    return %arg0, %c0_i32 : i32, i32
  }
  func.func @transform_3(%arg0: i32) -> (i32, i32) {
    %c0_i32 = arith.constant 0 : i32
    %c0_i32_0 = arith.constant 0 : i32
    return %arg0, %c0_i32 : i32, i32
  }
  func.func @transform_4(%arg0: i32) -> (i32, i32) {
    %c0_i32 = arith.constant 0 : i32
    %c0_i32_0 = arith.constant 0 : i32
    return %arg0, %c0_i32 : i32, i32
  }
  func.func @transform_5(%arg0: i32) -> (i32, i32) {
    %c0_i32 = arith.constant 0 : i32
    %c0_i32_0 = arith.constant 0 : i32
    %c0_i32_1 = arith.constant 0 : i32
    return %c0_i32, %c0_i32_0 : i32, i32
  }
  func.func @transform_6(%arg0: i32) -> (i32, i32) {
    %c0_i32 = arith.constant 0 : i32
    %c0_i32_0 = arith.constant 0 : i32
    %c0_i32_1 = arith.constant 0 : i32
    return %c0_i32, %c0_i32_0 : i32, i32
  }
  func.func @transform_7(%arg0: i32) -> (i32, i32) {
    %c0_i32 = arith.constant 0 : i32
    %c0_i32_0 = arith.constant 0 : i32
    %c0_i32_1 = arith.constant 0 : i32
    return %c0_i32, %c0_i32_0 : i32, i32
  }
}

</mosaic_0001>

<sc_bundles>
// kernel: kernel.10.cloned.1.call-start
scs
__scs_entry_jumppad:
0x0: {  	(pc) =	sbr.rel $0x88, $3  }
0x1: {  	(tag) =	ssettag $0x0;
	lr =	simm.s32 $0x1  }
0x2: {  	[smem:$0x3F96] =	sst lr;
	_ =	strace $0xD0000000  }
0x3: {  	_ = 	snop  }
0x4: {  	_ = 	snop  }
0x5: {  	_ = 	snop  }
0x6: {  	_ = 	snop  }
0x7: {  	_ = 	snop  }
__scs_overlays_trampoline_lowered:
0x8: {  	[smem:$0x3FA5] =	sst s0  }
0x9: {  	[smem:$0x3FA6] =	sst s1  }
0xa: {  	[smem:$0x3FA7] =	sst s2  }
0xb: {  	[smem:$0x3FA8] =	sst s3  }
0xc: {  	[smem:$0x3FA9] =	sst s4  }
0xd: {  	[smem:$0x3FAA] =	sst s5  }
0xe: {  	[smem:$0x3FAB] =	sst s6  }
0xf: {  	[smem:$0x3FAC] =	sst s7  }
0x10: {  	[smem:$0x3FAD] =	sst s8  }
0x11: {  	[smem:$0x3FAE] =	sst s9;
	s0 =	simm.s32 @!p0 $0x0  }
0x12: {  	s1 =	sld [smem:$0x3F94];
	s0 =	simm.s32 @p0 $0x1  }
0x13: {  	[smem:$0x3FAF] =	sst s0;
	s0 =	simm.s32 @!p1 $0x0  }
0x14: {  	s2 =	sld [smem:$0x3F93];
	s0 =	simm.s32 @p1 $0x1  }
0x15: {  	[smem:$0x3FB0] =	sst s0;
	s0 =	simm.s32 @!p2 $0x0  }
0x16: {  	s3 =	sld [smem:$0x3FDB];
	s0 =	simm.s32 @p2 $0x1  }
0x17: {  	s4 =	simm.s32 $0x1BF5;
	[smem:$0x3FB2] =	sst s0  }
0x18: {  	s0 =	sld [smem:$0x3F95];
	_ =	swait.ge [sflag:s4], $0x0  }
0x19: {  	s7 =	sld [smem:$0x3F96]  }
0x1a: {  	s8 =	sadd.s32 $0xFFFFE003, lr  }
0x1b: {  	s9 =	sadd.s32 $0xFFFFFEF7, lr;
	s5 =	simm.s32 $0xFFFFFFFF;
	p2 =	slt.u32 s8, $0xFFFFF086  }
0x1c: {  	p1 =	slt.u32 s9, $0xF7A;
	s5 =	simm.s32 @!p2 $0x0  }
0x1d: {  	s5 =	simm.s32 @p1 $0x1;
	p0 =	seq.s32 s7, s2  }
0x1e: {  	s7 =	smul.u32 @!p0 $0xF7A, s2;
	p2 =	seq.s32 @!p0 s5, $0x0  }
0x1f: {  	s9 =	smul.u32 $0xF7A, s1;
	s8 =	simm.s32 @!p0 $0x1BF5;
	p2 =	por !p2, p0  }
0x20: {  	[sflag:s8] =	ssyncset.s32 @!p0 $0xFFFFF086;
	s6 =	sadd.s32 @!p0 s3, s7;
	s7 =	simm.s32 @!p0 $0x108  }
0x21: {  	s3 =	sadd.s32 s3, s9;
	s6 =	sadd.s32 @!p0 $0x88, s6;
	s7 =	simm.s32 @p2 $0x1082  }
0x22: {  	[simem:s7], [sflag:s8] =	dma.local @!p0 [hbm:s6], $0xF7A  }
0x23: {  	s9 =	sor.u32 $0xD0000000, s2;
	s6 =	simm.s32 $0x108;
	_ =	swait.ge @!p0 [sflag:s8], $0x0  }
0x24: {  	s3 =	sadd.s32 $0x88, s3;
	s6 =	simm.s32 @!p1 $0x1082;
	[sflag:s4] =	ssyncset.s32 $0xFFFFF086  }
0x25: {  	[simem:s6], [sflag:s4] =	dma.local [hbm:s3], $0xF7A  }
0x26: {  	[smem:$0x3F96] =	sst s1;
	(tag) =	ssettag s2;
	_ =	strace s9  }
0x27: {  	s1 =	sld [smem:$0x3FA6]  }
0x28: {  	s2 =	sld [smem:$0x3FA7]  }
0x29: {  	s4 =	sld [smem:$0x3FA9]  }
0x2a: {  	p0 =	seq.s32 s5, $0x0;
	s5 =	sld [smem:$0x3FAA]  }
0x2b: {  	s6 =	sld [smem:$0x3FAB]  }
0x2c: {  	s7 =	sld [smem:$0x3FAC]  }
0x2d: {  	s3 =	simm.s32 $0x108;
	s8 =	sld [smem:$0x3FAD]  }
0x2e: {  	s3 =	simm.s32 @!p0 $0x1082;
	s9 =	sld [smem:$0x3FAE]  }
0x2f: {  	lr =	sadd.s32 s0, s3;
	s0 =	sld [smem:$0x3FA5]  }
0x30: {  	s3 =	sld [smem:$0x3FA8]  }
0x31: {  	[smem:$0x3FB1] =	sst s10  }
0x32: {  	s10 =	sld [smem:$0x3FAF];
	_ =	sdelay $0x3  }
0x33: {  	p0 =	seq.s32 s10, $0x1;
	s10 =	sld [smem:$0x3FB1];
	_ =	sdelay $0x3  }
0x34: {  	[smem:$0x3FB1] =	sst s10  }
0x35: {  	s10 =	sld [smem:$0x3FB0];
	_ =	sdelay $0x3  }
0x36: {  	p1 =	seq.s32 s10, $0x1;
	s10 =	sld [smem:$0x3FB1];
	_ =	sdelay $0x3  }
0x37: {  	[smem:$0x3FB1] =	sst s10  }
0x38: {  	s10 =	sld [smem:$0x3FB2]  }
0x39: {  	_ = 	snop;
	(pc) =	sbr.ind lr, $3  }
0x3a: {  	_ = 	snop  }
0x3b: {  	_ = 	snop  }
0x3c: {  	p2 =	seq.s32 s10, $0x1;
	s10 =	sld [smem:$0x3FB1]  }
0x3d: {  	_ =	shalt  }
0x3e: {  	_ =	shalt  }
0x3f: {  	_ =	shalt  }
0x40: {  	_ =	shalt  }
0x41: {  	_ =	shalt  }
0x42: {  	_ =	shalt  }
0x43: {  	_ =	shalt  }
0x44: {  	_ =	shalt  }
0x45: {  	_ =	shalt  }
0x46: {  	_ =	shalt  }
0x47: {  	_ =	shalt  }
0x48: {  	_ =	shalt  }
0x49: {  	_ =	shalt  }
0x4a: {  	_ =	shalt  }
0x4b: {  	_ =	shalt  }
0x4c: {  	_ =	shalt  }
0x4d: {  	_ =	shalt  }
0x4e: {  	_ =	shalt  }
0x4f: {  	_ =	shalt  }
0x50: {  	_ =	shalt  }
0x51: {  	_ =	shalt  }
0x52: {  	_ =	shalt  }
0x53: {  	_ =	shalt  }
0x54: {  	_ =	shalt  }
0x55: {  	_ =	shalt  }
0x56: {  	_ =	shalt  }
0x57: {  	_ =	shalt  }
0x58: {  	_ =	shalt  }
0x59: {  	_ =	shalt  }
0x5a: {  	_ =	shalt  }
0x5b: {  	_ =	shalt  }
0x5c: {  	_ =	shalt  }
0x5d: {  	_ =	shalt  }
0x5e: {  	_ =	shalt  }
0x5f: {  	_ =	shalt  }
0x60: {  	_ =	shalt  }
0x61: {  	_ =	shalt  }
0x62: {  	_ =	shalt  }
0x63: {  	_ =	shalt  }
0x64: {  	_ =	shalt  }
0x65: {  	_ =	shalt  }
0x66: {  	_ =	shalt  }
0x67: {  	_ =	shalt  }
0x68: {  	_ =	shalt  }
0x69: {  	_ =	shalt  }
0x6a: {  	_ =	shalt  }
0x6b: {  	_ =	shalt  }
0x6c: {  	_ =	shalt  }
0x6d: {  	_ =	shalt  }
0x6e: {  	_ =	shalt  }
0x6f: {  	_ =	shalt  }
0x70: {  	_ =	shalt  }
0x71: {  	_ =	shalt  }
0x72: {  	_ =	shalt  }
0x73: {  	_ =	shalt  }
0x74: {  	_ =	shalt  }
0x75: {  	_ =	shalt  }
0x76: {  	_ =	shalt  }
0x77: {  	_ =	shalt  }
0x78: {  	_ =	shalt  }
0x79: {  	_ =	shalt  }
0x7a: {  	_ =	shalt  }
0x7b: {  	_ =	shalt  }
0x7c: {  	_ =	shalt  }
0x7d: {  	_ =	shalt  }
0x7e: {  	_ =	shalt  }
0x7f: {  	_ =	shalt  }
0x80: {  	_ =	shalt  }
0x81: {  	_ =	shalt  }
0x82: {  	_ =	shalt  }
0x83: {  	_ =	shalt  }
0x84: {  	_ =	shalt  }
0x85: {  	_ =	shalt  }
0x86: {  	_ =	shalt  }
0x87: {  	_ =	shalt  }
.Lfunc_end0:
.L_simem_size_0:
called_computation.1_lowered:
.L_overlay_start_0:
0x88: {  	s2 =	sld [smem:$0x3FD9]  }
0x89: {  	s3 =	sld [smem:$0x3FFE];
	_ =	sdelay $0x1  }
0x8a: {  	s1 =	srdreg.scid  }
0x8b: {  	s0 =	sand.u32 $0x1, s1  }
0x8c: {  	s16 =	sshll.u32 s0, $0xA;
	s2 =	sadd.s32 s3, s2  }
0x8d: {  	s2 =	sadd.s32 s2, s16  }
0x8e: {  	[smem:$0x3FBD] =	sst s2  }
0x8f: {  	_ = 	snop  }
0x90: {  	(tm) =	ssettm $0x1  }
0x91: {  	s17 =	sld [smem:$0x3FFB];
	_ =	sdelay $0x3  }
0x92: {  	_ =	strace s17  }
0x93: {  	s2 =	sld [smem:$0x3FFC];
	_ =	sdelay $0x3  }
0x94: {  	_ =	strace s2  }
0x95: {  	s2 =	sld [smem:$0x3FFD];
	_ =	sdelay $0x3  }
0x96: {  	_ =	strace s2  }
0x97: {  	_ =	strace $0x8FFFFFFF  }
0x98: {  	s18 =	sld [smem:$0x3FDB];
	_ =	sdelay $0x1  }
0x99: {  	s19 =	simm.s32 $_scs_section_size  }
0x9a: {  	s4 =	simm.s32 $_size__tile_overlayer_lowered;
	s5 =	simm.s32 $_tile_overlayer_lowered  }
0x9b: {  	s22 =	simm.s32 $0x1BFF;
	s21 =	sshll.u32 s5, $0x1;
	s2 =	sadd.s32 s19, s18  }
0x9c: {  	s6 =	simm.s32 $0x0;
	s20 =	sshll.u32 s4, $0x1;
	s4 =	sadd.s32 s21, s2  }
0x9d: {  	[timem:s6], [sflag:s22] =	dma.local [hbm:s4], s20  }
0x9e: {  	_ =	swait.ge [sflag:s22], s20  }
0x9f: {  	s3 =	ssub.s32 $0x0, s20;
	[sflag:s22] =	ssyncset.done $0x0  }
0xa0: {  	[sflag:s22] =	ssyncadd.s32 s3;
	_ =	sdelay $0x1  }
0xa1: {  	s23 =	simm.s32 $0x1B8B  }
0xa2: {  	_ =	swait.ge [sflag:s23], $0x1  }
0xa3: {  	[sflag:s23] =	ssyncset.done $0x0  }
0xa4: {  	s25 =	simm.s32 $0x1B8E;
	s24 =	sld [smem:$0x3FFE];
	[sflag:s23] =	ssyncadd.s32 $0xFFFFFFFF  }
0xa5: {  	s26 =	simm.s32 $execute0_lowered;
	[smem:$0x3FD2] =	sst s25  }
0xa6: {  	s4 =	sshll.u32 s26, $0x1;
	_ =	strace $0x80000046;
	[dreg:$0x1] =	wrdreg $0xFFFFFFFF  }
0xa7: {  	s28 =	simm.s32 $_size_execute0_lowered;
	s2 =	sadd.s32 s2, s4;
	[dreg:$0x0] =	wrdreg $0x0  }
0xa8: {  	s4 =	sshll.u32 s28, $0x1;
	[dreg:$0x2] =	wrdreg s2  }
0xa9: {  	[dreg:$0x3] =	wrdreg s4  }
0xaa: {  	[dreg:$0x4] =	wrdreg $0xC0  }
0xab: {  	_ =	task [dreg:s6], $0x5FFFF  }
0xac: {  	[dreg:$0x1] =	wrdreg $0xFFFFFFFF  }
0xad: {  	[dreg:$0x0] =	wrdreg $0x60  }
0xae: {  	[dreg:$0x2] =	wrdreg s24  }
0xaf: {  	[dreg:$0x3] =	wrdreg $0xA  }
0xb0: {  	_ =	task.clear_ibuf [dreg:s6], $0x4FFFF;
	_ =	strace $0x90000046  }
0xb1: {  	s29 =	simm.s32 $0xA;
	_ =	strace $0x80000048  }
0xb2: {  	_ =	swait.ge [sflag:s29], $0x1  }
0xb3: {  	[sflag:s29] =	ssyncadd.s32 $0xFFFFFFFF  }
0xb4: {  	_ =	strace $0x90000048  }
0xb5: {  	_ =	sfence  }
0xb6: {  	s30 =	sld [smem:$0x0];
	_ =	sdelay $0x2  }
0xb7: {  	s31 =	sshll.u32 s1, $0xD;
	s1 =	sshrl.u32 s1, $0x2  }
0xb8: {  	s3 =	sand.u32 $0x4000, s31;
	s1 =	sadd.s32 s1, s30  }
0xb9: {  	s0 =	sor.u32 s3, s0;
	s1 =	sshll.u32 s1, $0x11  }
0xba: {  	s0 =	sor.u32 s1, s0  }
0xbb: {  	s0 =	sadd.s32 $0x8F2B, s0  }
0xbc: {  	[sflag:s0] =	ssyncadd.remote.s32 $0x1  }
0xbd: {  	_ =	sfence.sel $0xFFFF  }
0xbe: {  	[dreg:$0x0] =	wrdreg $0xFFFFFFFF;
	(pc) =	sbr.abs _section_cstart, $3  }
0xbf: {  	[dreg:$0x1] =	wrdreg $0xFFFFFFFF  }
0xc0: {  	_ =	task.clear_ibuf [dreg:s6], $0x2FFFF;
	_ =	strace $0x9FFFFFFF  }
0xc1: {  	(tm) =	ssettm $0x7FFFFFFF  }
tec
execute0_lowered:
.L_overlay_start_1:
0x0: {  	(tag) =	ssettag $0x1  }
0x1: {  	s1 =	srdreg.scid  }
0x2: {  	s0 =	stileid.u32;
	s3 =	rddreg [dreg:$0x0]  }
0x3: {  	s2 =	simm.s32 $0x0;
	s10 =	simm.s32 $0x0;
	s4 =	sand.u32 $0x1, s1  }
0x4: {  	s5 =	smul.u32 $0x2800, s0;
	s1 =	rddreg [dreg:$0x1];
	s7 =	sshrl.u32 s0, $0x2  }
0x5: {  	s8 =	sshll.u32 s0, $0x8;
	[smem:$0x7FF] =	sst s2;
	s6 =	smul.u32 $0x1400, s4  }
0x6: {  	s9 =	sshll.u32 s4, $0x7;
	s7 =	smul.u32 $0x14000, s7;
	s4 =	ssub.s32 $0x2, s4  }
0x7: {  	_ =	strace $0x80000047;
	s8 =	sor.u32 s9, s8;
	s31 =	sshrl.u32 s4, $0x1  }
0x8: {  	s9 =	simm.s32 $0x80;
	s8 =	sand.u32 $0x380, s8;
	s5 =	sadd.s32 s6, s5  }
0x9: {  	s28 =	sor.u32 s7, s8;
	s5 =	sshrl.u32 s5, $0x3;
	s7 =	simm.s32 $0x400  }
0xa: {  	s8 =	simm.s32 $0x1;
	s6 =	sshrl.u32 s28, $0x3;
	s29 =	sadd.s32 s5, s3  }
0xb: {  	s30 =	sadd.s32 s6, s3;
	s3 =	sadd.s32 $0x6E00, s3;
	s6 =	ssub.s32 s4, s31  }
0xc: {  	v0 =	vimm.f32 $1.000000000e+00;
	s4 =	sadd.s32 $0x7400, s30;
	s5 =	smax.u32 s6, $0x1;
	s6 =	sadd.s32 $0x1E00, s29  }
.LBB2_1:
0xd: {  	[tilespmem:s7], [sflag:$0x1] =	stream.linear.gather [hbm4b:s3+s2], $0x2800, $0x38;
	[tilespmem:$0x2C00] =	vst v63  }
0xe: {  	_ =	swait.ge [sflag:s8], $0x2800  }
0xf: {  	[sflag:s8] =	ssyncset.done $0x0  }
0x10: {  	s11 =	simm.s32 $0x0;
	[sflag:s8] =	ssyncadd.s32 $0xFFFFD800  }
.LBB2_2:
0x11: {  	s12 =	sadd.s32 s11, s6  }
0x12: {  	[tilespmem:s2], [sflag:$0x1] =	stream.linear.gather [hbm4b:s12+s2], $0x400, $0x38;
	[tilespmem:$0x2C00] =	vst v63  }
0x13: {  	_ =	swait.ge [sflag:s8], $0x400  }
0x14: {  	[sflag:s8] =	ssyncset.done $0x0  }
0x15: {  	[sflag:s8] =	ssyncadd.s32 $0xFFFFFC00  }
0x16: {  	v1 =	vld [tilespmem:$0x0];
	_ =	sdelay $0x7  }
0x17: {  	[tilespmem:v1+s7+$0x0] =	vst.idx.add.f32.msk $0xffff, v0  }
0x18: {  	v1 =	vld [tilespmem:$0x10];
	_ =	sdelay $0x7  }
0x19: {  	[tilespmem:v1+s7+$0x0] =	vst.idx.add.f32.msk $0xffff, v0  }
0x1a: {  	v1 =	vld [tilespmem:$0x20];
	_ =	sdelay $0x7  }
0x1b: {  	[tilespmem:v1+s7+$0x0] =	vst.idx.add.f32.msk $0xffff, v0  }
0x1c: {  	v1 =	vld [tilespmem:$0x30];
	_ =	sdelay $0x7  }
0x1d: {  	[tilespmem:v1+s7+$0x0] =	vst.idx.add.f32.msk $0xffff, v0  }
0x1e: {  	v1 =	vld [tilespmem:$0x40];
	_ =	sdelay $0x7  }
0x1f: {  	[tilespmem:v1+s7+$0x0] =	vst.idx.add.f32.msk $0xffff, v0  }
0x20: {  	v1 =	vld [tilespmem:$0x50];
	_ =	sdelay $0x7  }
0x21: {  	[tilespmem:v1+s7+$0x0] =	vst.idx.add.f32.msk $0xffff, v0  }
0x22: {  	v1 =	vld [tilespmem:$0x60];
	_ =	sdelay $0x7  }
0x23: {  	[tilespmem:v1+s7+$0x0] =	vst.idx.add.f32.msk $0xffff, v0  }
0x24: {  	v1 =	vld [tilespmem:$0x70];
	_ =	sdelay $0x7  }
0x25: {  	[tilespmem:v1+s7+$0x0] =	vst.idx.add.f32.msk $0xffff, v0  }
0x26: {  	v1 =	vld [tilespmem:$0x80];
	_ =	sdelay $0x7  }
0x27: {  	[tilespmem:v1+s7+$0x0] =	vst.idx.add.f32.msk $0xffff, v0  }
0x28: {  	v1 =	vld [tilespmem:$0x90];
	_ =	sdelay $0x7  }
0x29: {  	[tilespmem:v1+s7+$0x0] =	vst.idx.add.f32.msk $0xffff, v0  }
0x2a: {  	v1 =	vld [tilespmem:$0xA0];
	_ =	sdelay $0x7  }
0x2b: {  	[tilespmem:v1+s7+$0x0] =	vst.idx.add.f32.msk $0xffff, v0  }
0x2c: {  	v1 =	vld [tilespmem:$0xB0];
	_ =	sdelay $0x7  }
0x2d: {  	[tilespmem:v1+s7+$0x0] =	vst.idx.add.f32.msk $0xffff, v0  }
0x2e: {  	v1 =	vld [tilespmem:$0xC0];
	_ =	sdelay $0x7  }
0x2f: {  	[tilespmem:v1+s7+$0x0] =	vst.idx.add.f32.msk $0xffff, v0  }
0x30: {  	v1 =	vld [tilespmem:$0xD0];
	_ =	sdelay $0x7  }
0x31: {  	[tilespmem:v1+s7+$0x0] =	vst.idx.add.f32.msk $0xffff, v0  }
0x32: {  	v1 =	vld [tilespmem:$0xE0];
	_ =	sdelay $0x7  }
0x33: {  	[tilespmem:v1+s7+$0x0] =	vst.idx.add.f32.msk $0xffff, v0  }
0x34: {  	v1 =	vld [tilespmem:$0xF0];
	_ =	sdelay $0x7  }
0x35: {  	[tilespmem:v1+s7+$0x0] =	vst.idx.add.f32.msk $0xffff, v0  }
0x36: {  	v1 =	vld [tilespmem:$0x100];
	_ =	sdelay $0x7  }
0x37: {  	[tilespmem:v1+s7+$0x0] =	vst.idx.add.f32.msk $0xffff, v0  }
0x38: {  	v1 =	vld [tilespmem:$0x110];
	_ =	sdelay $0x7  }
0x39: {  	[tilespmem:v1+s7+$0x0] =	vst.idx.add.f32.msk $0xffff, v0  }
0x3a: {  	v1 =	vld [tilespmem:$0x120];
	_ =	sdelay $0x7  }
0x3b: {  	[tilespmem:v1+s7+$0x0] =	vst.idx.add.f32.msk $0xffff, v0  }
0x3c: {  	v1 =	vld [tilespmem:$0x130];
	_ =	sdelay $0x7  }
0x3d: {  	[tilespmem:v1+s7+$0x0] =	vst.idx.add.f32.msk $0xffff, v0  }
0x3e: {  	v1 =	vld [tilespmem:$0x140];
	_ =	sdelay $0x7  }
0x3f: {  	[tilespmem:v1+s7+$0x0] =	vst.idx.add.f32.msk $0xffff, v0  }
0x40: {  	v1 =	vld [tilespmem:$0x150];
	_ =	sdelay $0x7  }
0x41: {  	[tilespmem:v1+s7+$0x0] =	vst.idx.add.f32.msk $0xffff, v0  }
0x42: {  	v1 =	vld [tilespmem:$0x160];
	_ =	sdelay $0x7  }
0x43: {  	[tilespmem:v1+s7+$0x0] =	vst.idx.add.f32.msk $0xffff, v0  }
0x44: {  	v1 =	vld [tilespmem:$0x170];
	_ =	sdelay $0x7  }
0x45: {  	[tilespmem:v1+s7+$0x0] =	vst.idx.add.f32.msk $0xffff, v0  }
0x46: {  	v1 =	vld [tilespmem:$0x180];
	_ =	sdelay $0x7  }
0x47: {  	[tilespmem:v1+s7+$0x0] =	vst.idx.add.f32.msk $0xffff, v0  }
0x48: {  	v1 =	vld [tilespmem:$0x190];
	_ =	sdelay $0x7  }
0x49: {  	[tilespmem:v1+s7+$0x0] =	vst.idx.add.f32.msk $0xffff, v0  }
0x4a: {  	v1 =	vld [tilespmem:$0x1A0];
	_ =	sdelay $0x7  }
0x4b: {  	[tilespmem:v1+s7+$0x0] =	vst.idx.add.f32.msk $0xffff, v0  }
0x4c: {  	v1 =	vld [tilespmem:$0x1B0];
	_ =	sdelay $0x7  }
0x4d: {  	[tilespmem:v1+s7+$0x0] =	vst.idx.add.f32.msk $0xffff, v0  }
0x4e: {  	v1 =	vld [tilespmem:$0x1C0];
	_ =	sdelay $0x7  }
0x4f: {  	[tilespmem:v1+s7+$0x0] =	vst.idx.add.f32.msk $0xffff, v0  }
0x50: {  	v1 =	vld [tilespmem:$0x1D0];
	_ =	sdelay $0x7  }
0x51: {  	[tilespmem:v1+s7+$0x0] =	vst.idx.add.f32.msk $0xffff, v0  }
0x52: {  	v1 =	vld [tilespmem:$0x1E0];
	_ =	sdelay $0x7  }
0x53: {  	[tilespmem:v1+s7+$0x0] =	vst.idx.add.f32.msk $0xffff, v0  }
0x54: {  	v1 =	vld [tilespmem:$0x1F0];
	_ =	sdelay $0x7  }
0x55: {  	[tilespmem:v1+s7+$0x0] =	vst.idx.add.f32.msk $0xffff, v0  }
0x56: {  	v1 =	vld [tilespmem:$0x200];
	_ =	sdelay $0x7  }
0x57: {  	[tilespmem:v1+s7+$0x0] =	vst.idx.add.f32.msk $0xffff, v0  }
0x58: {  	v1 =	vld [tilespmem:$0x210];
	_ =	sdelay $0x7  }
0x59: {  	[tilespmem:v1+s7+$0x0] =	vst.idx.add.f32.msk $0xffff, v0  }
0x5a: {  	v1 =	vld [tilespmem:$0x220];
	_ =	sdelay $0x7  }
0x5b: {  	[tilespmem:v1+s7+$0x0] =	vst.idx.add.f32.msk $0xffff, v0  }
0x5c: {  	v1 =	vld [tilespmem:$0x230];
	_ =	sdelay $0x7  }
0x5d: {  	[tilespmem:v1+s7+$0x0] =	vst.idx.add.f32.msk $0xffff, v0  }
0x5e: {  	v1 =	vld [tilespmem:$0x240];
	_ =	sdelay $0x7  }
0x5f: {  	[tilespmem:v1+s7+$0x0] =	vst.idx.add.f32.msk $0xffff, v0  }
0x60: {  	v1 =	vld [tilespmem:$0x250];
	_ =	sdelay $0x7  }
0x61: {  	[tilespmem:v1+s7+$0x0] =	vst.idx.add.f32.msk $0xffff, v0  }
0x62: {  	v1 =	vld [tilespmem:$0x260];
	_ =	sdelay $0x7  }
0x63: {  	[tilespmem:v1+s7+$0x0] =	vst.idx.add.f32.msk $0xffff, v0  }
0x64: {  	v1 =	vld [tilespmem:$0x270];
	_ =	sdelay $0x7  }
0x65: {  	[tilespmem:v1+s7+$0x0] =	vst.idx.add.f32.msk $0xffff, v0  }
0x66: {  	v1 =	vld [tilespmem:$0x280];
	_ =	sdelay $0x7  }
0x67: {  	[tilespmem:v1+s7+$0x0] =	vst.idx.add.f32.msk $0xffff, v0  }
0x68: {  	v1 =	vld [tilespmem:$0x290];
	_ =	sdelay $0x7  }
0x69: {  	[tilespmem:v1+s7+$0x0] =	vst.idx.add.f32.msk $0xffff, v0  }
0x6a: {  	v1 =	vld [tilespmem:$0x2A0];
	_ =	sdelay $0x7  }
0x6b: {  	[tilespmem:v1+s7+$0x0] =	vst.idx.add.f32.msk $0xffff, v0  }
0x6c: {  	v1 =	vld [tilespmem:$0x2B0];
	_ =	sdelay $0x7  }
0x6d: {  	[tilespmem:v1+s7+$0x0] =	vst.idx.add.f32.msk $0xffff, v0  }
0x6e: {  	v1 =	vld [tilespmem:$0x2C0];
	_ =	sdelay $0x7  }
0x6f: {  	[tilespmem:v1+s7+$0x0] =	vst.idx.add.f32.msk $0xffff, v0  }
0x70: {  	v1 =	vld [tilespmem:$0x2D0];
	_ =	sdelay $0x7  }
0x71: {  	[tilespmem:v1+s7+$0x0] =	vst.idx.add.f32.msk $0xffff, v0  }
0x72: {  	v1 =	vld [tilespmem:$0x2E0];
	_ =	sdelay $0x7  }
0x73: {  	[tilespmem:v1+s7+$0x0] =	vst.idx.add.f32.msk $0xffff, v0  }
0x74: {  	v1 =	vld [tilespmem:$0x2F0];
	_ =	sdelay $0x7  }
0x75: {  	[tilespmem:v1+s7+$0x0] =	vst.idx.add.f32.msk $0xffff, v0  }
0x76: {  	v1 =	vld [tilespmem:$0x300];
	_ =	sdelay $0x7  }
0x77: {  	[tilespmem:v1+s7+$0x0] =	vst.idx.add.f32.msk $0xffff, v0  }
0x78: {  	v1 =	vld [tilespmem:$0x310];
	_ =	sdelay $0x7  }
0x79: {  	[tilespmem:v1+s7+$0x0] =	vst.idx.add.f32.msk $0xffff, v0  }
0x7a: {  	v1 =	vld [tilespmem:$0x320];
	_ =	sdelay $0x7  }
0x7b: {  	[tilespmem:v1+s7+$0x0] =	vst.idx.add.f32.msk $0xffff, v0  }
0x7c: {  	v1 =	vld [tilespmem:$0x330];
	_ =	sdelay $0x7  }
0x7d: {  	[tilespmem:v1+s7+$0x0] =	vst.idx.add.f32.msk $0xffff, v0  }
0x7e: {  	v1 =	vld [tilespmem:$0x340];
	_ =	sdelay $0x7  }
0x7f: {  	[tilespmem:v1+s7+$0x0] =	vst.idx.add.f32.msk $0xffff, v0  }
0x80: {  	v1 =	vld [tilespmem:$0x350];
	_ =	sdelay $0x7  }
0x81: {  	[tilespmem:v1+s7+$0x0] =	vst.idx.add.f32.msk $0xffff, v0  }
0x82: {  	v1 =	vld [tilespmem:$0x360];
	_ =	sdelay $0x7  }
0x83: {  	[tilespmem:v1+s7+$0x0] =	vst.idx.add.f32.msk $0xffff, v0  }
0x84: {  	v1 =	vld [tilespmem:$0x370];
	_ =	sdelay $0x7  }
0x85: {  	[tilespmem:v1+s7+$0x0] =	vst.idx.add.f32.msk $0xffff, v0  }
0x86: {  	v1 =	vld [tilespmem:$0x380];
	_ =	sdelay $0x7  }
0x87: {  	[tilespmem:v1+s7+$0x0] =	vst.idx.add.f32.msk $0xffff, v0  }
0x88: {  	v1 =	vld [tilespmem:$0x390];
	_ =	sdelay $0x7  }
0x89: {  	[tilespmem:v1+s7+$0x0] =	vst.idx.add.f32.msk $0xffff, v0  }
0x8a: {  	v1 =	vld [tilespmem:$0x3A0];
	_ =	sdelay $0x7  }
0x8b: {  	[tilespmem:v1+s7+$0x0] =	vst.idx.add.f32.msk $0xffff, v0  }
0x8c: {  	v1 =	vld [tilespmem:$0x3B0];
	_ =	sdelay $0x7  }
0x8d: {  	[tilespmem:v1+s7+$0x0] =	vst.idx.add.f32.msk $0xffff, v0  }
0x8e: {  	v1 =	vld [tilespmem:$0x3C0];
	_ =	sdelay $0x7  }
0x8f: {  	[tilespmem:v1+s7+$0x0] =	vst.idx.add.f32.msk $0xffff, v0  }
0x90: {  	v1 =	vld [tilespmem:$0x3D0];
	_ =	sdelay $0x7  }
0x91: {  	[tilespmem:v1+s7+$0x0] =	vst.idx.add.f32.msk $0xffff, v0  }
0x92: {  	v1 =	vld [tilespmem:$0x3E0];
	_ =	sdelay $0x7  }
0x93: {  	[tilespmem:v1+s7+$0x0] =	vst.idx.add.f32.msk $0xffff, v0  }
0x94: {  	v1 =	vld [tilespmem:$0x3F0];
	_ =	sdelay $0x2  }
0x95: {  	p0 =	sne.s32 s11, $0x200  }
.Ltmp0:
0x96: {  	_ = 	snop;
	(pc) =	sbr.rel @p0 .LBB2_2-.Ltmp0, $2  }
0x97: {  	_ =	sdelay $0x2  }
0x98: {  	s11 =	sadd.s32 $0x80, s11;
	[tilespmem:v1+s7+$0x0] =	vst.idx.add.f32.msk $0xffff, v0  }
0x99: {  	s10 =	sadd.s32 $0x1, s10  }
0x9a: {  	p0 =	sne.s32 s10, s5  }
.Ltmp1:
0x9b: {  	_ = 	snop;
	(pc) =	sbr.rel @p0 .LBB2_1-.Ltmp1, $4  }
0x9c: {  	[hbm4b:s4+s9] =	stream.strided.scatter [tilespmem:s7], [sflag:$0x1], $0x2800, s7, s9, $0x38;
	[tilespmem:$0x2C00] =	vst v63  }
0x9d: {  	_ =	swait.ge [sflag:s8], $0x2800  }
0x9e: {  	[sflag:s8] =	ssyncset.done $0x0  }
0x9f: {  	[sflag:s8] =	ssyncadd.s32 $0xFFFFD800  }
0xa0: {  	_ =	sfence.sel $0x180000  }
0xa1: {  	[bflag:$0x0] =	sbarrier.arrive $0xFFFF  }
0xa2: {  	p0 =	sne.s32 s0, $0x0;
	_ =	strace $0x90000047  }
0xa3: {  	s0 =	sadd.s32 @!p0 $0x100000, s1;
	[bflag:$0x2] =	sbarrier.arrive $0xFFFF  }
0xa4: {  	[sflag:s0] =	ssyncadd.tile.s32 @!p0 $0x1;
	_ =	shalt  }
.Lfunc_end2:
_tile_overlayer_lowered:
.L_overlay_start_2:
0xa5: {  	(tag) =	ssettag $0x2  }
0xa6: {  	s0 =	rddreg [dreg:$0x0];
	s2 =	stileid.u32  }
0xa7: {  	s1 =	rddreg [dreg:$0x1];
	p0 =	sne.s32 s2, $0x0  }
0xa8: {  	s3 =	rddreg [dreg:$0x2];
	[bflag:$0x3] =	sbarrier.arrive $0xFFFF;
	s2 =	simm.s32 @!p0 $0x1C01  }
0xa9: {  	[timem:s3], [sflag:s2] =	dma.local @!p0 [hbm:s0], s1  }
0xaa: {  	s0 =	simm.s32 @!p0 $0x1  }
0xab: {  	_ =	swait.ge @!p0 [sflag:s0], s1  }
0xac: {  	s1 =	ssub.s32 @!p0 $0x0, s1;
	[sflag:s0] =	ssyncset.done @!p0 $0x0  }
0xad: {  	[sflag:s0] =	ssyncadd.s32 @!p0 s1  }
0xae: {  	[bflag:$0x3] =	sbarrier.arrive $0xFFFF  }
0xaf: {  	_ =	shalt  }

// kernel: kernel.13.cloned.1.call-start
scs
__scs_entry_jumppad:
0x0: {  	(pc) =	sbr.rel $0x88, $3  }
0x1: {  	(tag) =	ssettag $0x0;
	lr =	simm.s32 $0x1  }
0x2: {  	[smem:$0x3F96] =	sst lr;
	_ =	strace $0xD0000000  }
0x3: {  	_ = 	snop  }
0x4: {  	_ = 	snop  }
0x5: {  	_ = 	snop  }
0x6: {  	_ = 	snop  }
0x7: {  	_ = 	snop  }
__scs_overlays_trampoline_lowered:
0x8: {  	[smem:$0x3FA5] =	sst s0  }
0x9: {  	[smem:$0x3FA6] =	sst s1  }
0xa: {  	[smem:$0x3FA7] =	sst s2  }
0xb: {  	[smem:$0x3FA8] =	sst s3  }
0xc: {  	[smem:$0x3FA9] =	sst s4  }
0xd: {  	[smem:$0x3FAA] =	sst s5  }
0xe: {  	[smem:$0x3FAB] =	sst s6  }
0xf: {  	[smem:$0x3FAC] =	sst s7  }
0x10: {  	[smem:$0x3FAD] =	sst s8  }
0x11: {  	[smem:$0x3FAE] =	sst s9;
	s0 =	simm.s32 @!p0 $0x0  }
0x12: {  	s1 =	sld [smem:$0x3F94];
	s0 =	simm.s32 @p0 $0x1  }
0x13: {  	[smem:$0x3FAF] =	sst s0;
	s0 =	simm.s32 @!p1 $0x0  }
0x14: {  	s2 =	sld [smem:$0x3F93];
	s0 =	simm.s32 @p1 $0x1  }
0x15: {  	[smem:$0x3FB0] =	sst s0;
	s0 =	simm.s32 @!p2 $0x0  }
0x16: {  	s3 =	sld [smem:$0x3FDB];
	s0 =	simm.s32 @p2 $0x1  }
0x17: {  	s4 =	simm.s32 $0x1BF5;
	[smem:$0x3FB2] =	sst s0  }
0x18: {  	s0 =	sld [smem:$0x3F95];
	_ =	swait.ge [sflag:s4], $0x0  }
0x19: {  	s7 =	sld [smem:$0x3F96]  }
0x1a: {  	s8 =	sadd.s32 $0xFFFFE003, lr  }
0x1b: {  	s9 =	sadd.s32 $0xFFFFFEF7, lr;
	s5 =	simm.s32 $0xFFFFFFFF;
	p2 =	slt.u32 s8, $0xFFFFF086  }
0x1c: {  	p1 =	slt.u32 s9, $0xF7A;
	s5 =	simm.s32 @!p2 $0x0  }
0x1d: {  	s5 =	simm.s32 @p1 $0x1;
	p0 =	seq.s32 s7, s2  }
0x1e: {  	s7 =	smul.u32 @!p0 $0xF7A, s2;
	p2 =	seq.s32 @!p0 s5, $0x0  }
0x1f: {  	s9 =	smul.u32 $0xF7A, s1;
	s8 =	simm.s32 @!p0 $0x1BF5;
	p2 =	por !p2, p0  }
0x20: {  	[sflag:s8] =	ssyncset.s32 @!p0 $0xFFFFF086;
	s6 =	sadd.s32 @!p0 s3, s7;
	s7 =	simm.s32 @!p0 $0x108  }
0x21: {  	s3 =	sadd.s32 s3, s9;
	s6 =	sadd.s32 @!p0 $0x88, s6;
	s7 =	simm.s32 @p2 $0x1082  }
0x22: {  	[simem:s7], [sflag:s8] =	dma.local @!p0 [hbm:s6], $0xF7A  }
0x23: {  	s9 =	sor.u32 $0xD0000000, s2;
	s6 =	simm.s32 $0x108;
	_ =	swait.ge @!p0 [sflag:s8], $0x0  }
0x24: {  	s3 =	sadd.s32 $0x88, s3;
	s6 =	simm.s32 @!p1 $0x1082;
	[sflag:s4] =	ssyncset.s32 $0xFFFFF086  }
0x25: {  	[simem:s6], [sflag:s4] =	dma.local [hbm:s3], $0xF7A  }
0x26: {  	[smem:$0x3F96] =	sst s1;
	(tag) =	ssettag s2;
	_ =	strace s9  }
0x27: {  	s1 =	sld [smem:$0x3FA6]  }
0x28: {  	s2 =	sld [smem:$0x3FA7]  }
0x29: {  	s4 =	sld [smem:$0x3FA9]  }
0x2a: {  	p0 =	seq.s32 s5, $0x0;
	s5 =	sld [smem:$0x3FAA]  }
0x2b: {  	s6 =	sld [smem:$0x3FAB]  }
0x2c: {  	s7 =	sld [smem:$0x3FAC]  }
0x2d: {  	s3 =	simm.s32 $0x108;
	s8 =	sld [smem:$0x3FAD]  }
0x2e: {  	s3 =	simm.s32 @!p0 $0x1082;
	s9 =	sld [smem:$0x3FAE]  }
0x2f: {  	lr =	sadd.s32 s0, s3;
	s0 =	sld [smem:$0x3FA5]  }
0x30: {  	s3 =	sld [smem:$0x3FA8]  }
0x31: {  	[smem:$0x3FB1] =	sst s10  }
0x32: {  	s10 =	sld [smem:$0x3FAF];
	_ =	sdelay $0x3  }
0x33: {  	p0 =	seq.s32 s10, $0x1;
	s10 =	sld [smem:$0x3FB1];
	_ =	sdelay $0x3  }
0x34: {  	[smem:$0x3FB1] =	sst s10  }
0x35: {  	s10 =	sld [smem:$0x3FB0];
	_ =	sdelay $0x3  }
0x36: {  	p1 =	seq.s32 s10, $0x1;
	s10 =	sld [smem:$0x3FB1];
	_ =	sdelay $0x3  }
0x37: {  	[smem:$0x3FB1] =	sst s10  }
0x38: {  	s10 =	sld [smem:$0x3FB2]  }
0x39: {  	_ = 	snop;
	(pc) =	sbr.ind lr, $3  }
0x3a: {  	_ = 	snop  }
0x3b: {  	_ = 	snop  }
0x3c: {  	p2 =	seq.s32 s10, $0x1;
	s10 =	sld [smem:$0x3FB1]  }
0x3d: {  	_ =	shalt  }
0x3e: {  	_ =	shalt  }
0x3f: {  	_ =	shalt  }
0x40: {  	_ =	shalt  }
0x41: {  	_ =	shalt  }
0x42: {  	_ =	shalt  }
0x43: {  	_ =	shalt  }
0x44: {  	_ =	shalt  }
0x45: {  	_ =	shalt  }
0x46: {  	_ =	shalt  }
0x47: {  	_ =	shalt  }
0x48: {  	_ =	shalt  }
0x49: {  	_ =	shalt  }
0x4a: {  	_ =	shalt  }
0x4b: {  	_ =	shalt  }
0x4c: {  	_ =	shalt  }
0x4d: {  	_ =	shalt  }
0x4e: {  	_ =	shalt  }
0x4f: {  	_ =	shalt  }
0x50: {  	_ =	shalt  }
0x51: {  	_ =	shalt  }
0x52: {  	_ =	shalt  }
0x53: {  	_ =	shalt  }
0x54: {  	_ =	shalt  }
0x55: {  	_ =	shalt  }
0x56: {  	_ =	shalt  }
0x57: {  	_ =	shalt  }
0x58: {  	_ =	shalt  }
0x59: {  	_ =	shalt  }
0x5a: {  	_ =	shalt  }
0x5b: {  	_ =	shalt  }
0x5c: {  	_ =	shalt  }
0x5d: {  	_ =	shalt  }
0x5e: {  	_ =	shalt  }
0x5f: {  	_ =	shalt  }
0x60: {  	_ =	shalt  }
0x61: {  	_ =	shalt  }
0x62: {  	_ =	shalt  }
0x63: {  	_ =	shalt  }
0x64: {  	_ =	shalt  }
0x65: {  	_ =	shalt  }
0x66: {  	_ =	shalt  }
0x67: {  	_ =	shalt  }
0x68: {  	_ =	shalt  }
0x69: {  	_ =	shalt  }
0x6a: {  	_ =	shalt  }
0x6b: {  	_ =	shalt  }
0x6c: {  	_ =	shalt  }
0x6d: {  	_ =	shalt  }
0x6e: {  	_ =	shalt  }
0x6f: {  	_ =	shalt  }
0x70: {  	_ =	shalt  }
0x71: {  	_ =	shalt  }
0x72: {  	_ =	shalt  }
0x73: {  	_ =	shalt  }
0x74: {  	_ =	shalt  }
0x75: {  	_ =	shalt  }
0x76: {  	_ =	shalt  }
0x77: {  	_ =	shalt  }
0x78: {  	_ =	shalt  }
0x79: {  	_ =	shalt  }
0x7a: {  	_ =	shalt  }
0x7b: {  	_ =	shalt  }
0x7c: {  	_ =	shalt  }
0x7d: {  	_ =	shalt  }
0x7e: {  	_ =	shalt  }
0x7f: {  	_ =	shalt  }
0x80: {  	_ =	shalt  }
0x81: {  	_ =	shalt  }
0x82: {  	_ =	shalt  }
0x83: {  	_ =	shalt  }
0x84: {  	_ =	shalt  }
0x85: {  	_ =	shalt  }
0x86: {  	_ =	shalt  }
0x87: {  	_ =	shalt  }
.Lfunc_end0:
.L_simem_size_0:
called_computation.2_lowered:
.L_overlay_start_0:
0x88: {  	s2 =	sld [smem:$0x3FD9]  }
0x89: {  	s3 =	sld [smem:$0x3FFE];
	_ =	sdelay $0x1  }
0x8a: {  	s1 =	srdreg.scid  }
0x8b: {  	s0 =	sand.u32 $0x1, s1  }
0x8c: {  	s16 =	sshll.u32 s0, $0xA;
	s2 =	sadd.s32 s3, s2  }
0x8d: {  	s2 =	sadd.s32 s2, s16  }
0x8e: {  	[smem:$0x3FBD] =	sst s2  }
0x8f: {  	_ = 	snop  }
0x90: {  	(tm) =	ssettm $0x1  }
0x91: {  	s17 =	sld [smem:$0x3FFB];
	_ =	sdelay $0x3  }
0x92: {  	_ =	strace s17  }
0x93: {  	s2 =	sld [smem:$0x3FFC];
	_ =	sdelay $0x3  }
0x94: {  	_ =	strace s2  }
0x95: {  	s2 =	sld [smem:$0x3FFD];
	_ =	sdelay $0x3  }
0x96: {  	_ =	strace s2  }
0x97: {  	_ =	strace $0x8FFFFFFF  }
0x98: {  	s18 =	sld [smem:$0x3FDB];
	_ =	sdelay $0x1  }
0x99: {  	s19 =	simm.s32 $_scs_section_size  }
0x9a: {  	s4 =	simm.s32 $_size__tile_overlayer_lowered;
	s5 =	simm.s32 $_tile_overlayer_lowered  }
0x9b: {  	s22 =	simm.s32 $0x1BFF;
	s21 =	sshll.u32 s5, $0x1;
	s2 =	sadd.s32 s19, s18  }
0x9c: {  	s6 =	simm.s32 $0x0;
	s20 =	sshll.u32 s4, $0x1;
	s4 =	sadd.s32 s21, s2  }
0x9d: {  	[timem:s6], [sflag:s22] =	dma.local [hbm:s4], s20  }
0x9e: {  	_ =	swait.ge [sflag:s22], s20  }
0x9f: {  	s3 =	ssub.s32 $0x0, s20;
	[sflag:s22] =	ssyncset.done $0x0  }
0xa0: {  	[sflag:s22] =	ssyncadd.s32 s3;
	_ =	sdelay $0x1  }
0xa1: {  	s23 =	simm.s32 $0x1B8B  }
0xa2: {  	_ =	swait.ge [sflag:s23], $0x1  }
0xa3: {  	[sflag:s23] =	ssyncset.done $0x0  }
0xa4: {  	s25 =	simm.s32 $0x1B8E;
	s24 =	sld [smem:$0x3FFE];
	[sflag:s23] =	ssyncadd.s32 $0xFFFFFFFF  }
0xa5: {  	s26 =	simm.s32 $execute0_lowered;
	[smem:$0x3FD2] =	sst s25  }
0xa6: {  	s4 =	sshll.u32 s26, $0x1;
	_ =	strace $0x8000004C;
	[dreg:$0x1] =	wrdreg $0xFFFFFFFF  }
0xa7: {  	s28 =	simm.s32 $_size_execute0_lowered;
	s2 =	sadd.s32 s2, s4;
	[dreg:$0x0] =	wrdreg $0x0  }
0xa8: {  	s4 =	sshll.u32 s28, $0x1;
	[dreg:$0x2] =	wrdreg s2  }
0xa9: {  	[dreg:$0x3] =	wrdreg s4  }
0xaa: {  	[dreg:$0x4] =	wrdreg $0xC0  }
0xab: {  	_ =	task [dreg:s6], $0x5FFFF  }
0xac: {  	[dreg:$0x1] =	wrdreg $0xFFFFFFFF  }
0xad: {  	[dreg:$0x0] =	wrdreg $0x60  }
0xae: {  	[dreg:$0x2] =	wrdreg s24  }
0xaf: {  	[dreg:$0x3] =	wrdreg $0x0  }
0xb0: {  	[dreg:$0x4] =	wrdreg $0x9  }
0xb1: {  	_ =	task.clear_ibuf [dreg:s6], $0x5FFFF;
	_ =	strace $0x9000004C  }
0xb2: {  	s29 =	simm.s32 $0x9;
	_ =	strace $0x8000004E  }
0xb3: {  	_ =	swait.ge [sflag:s29], $0x1  }
0xb4: {  	[sflag:s29] =	ssyncadd.s32 $0xFFFFFFFF  }
0xb5: {  	_ =	strace $0x9000004E  }
0xb6: {  	_ =	sfence  }
0xb7: {  	s30 =	sld [smem:$0x0];
	_ =	sdelay $0x2  }
0xb8: {  	s31 =	sshll.u32 s1, $0xD;
	s1 =	sshrl.u32 s1, $0x2  }
0xb9: {  	s3 =	sand.u32 $0x4000, s31;
	s1 =	sadd.s32 s1, s30  }
0xba: {  	s0 =	sor.u32 s3, s0;
	s1 =	sshll.u32 s1, $0x11  }
0xbb: {  	s0 =	sor.u32 s1, s0  }
0xbc: {  	s0 =	sadd.s32 $0x8F2B, s0  }
0xbd: {  	[sflag:s0] =	ssyncadd.remote.s32 $0x1  }
0xbe: {  	_ =	sfence.sel $0xFFFF  }
0xbf: {  	[dreg:$0x0] =	wrdreg $0xFFFFFFFF;
	(pc) =	sbr.abs _section_cstart, $3  }
0xc0: {  	[dreg:$0x1] =	wrdreg $0xFFFFFFFF  }
0xc1: {  	_ =	task.clear_ibuf [dreg:s6], $0x2FFFF;
	_ =	strace $0x9FFFFFFF  }
0xc2: {  	(tm) =	ssettm $0x7FFFFFFF  }
0xc3: {  	_ =	shalt  }
tec
execute0_lowered:
.L_overlay_start_1:
0x0: {  	(tag) =	ssettag $0x1  }
0x1: {  	s0 =	srdreg.scid;
	s1 =	rddreg [dreg:$0x0]  }
0x2: {  	s8 =	stileid.u32;
	s2 =	rddreg [dreg:$0x1]  }
0x3: {  	s3 =	simm.s32 $0x0;
	s12 =	simm.s32 $0x2;
	s13 =	simm.s32 $0x14000  }
0x4: {  	s14 =	simm.s32 $0x14400;
	s15 =	simm.s32 $0x80;
	s16 =	simm.s32 $0x14800  }
0x5: {  	s17 =	simm.s32 $0x1;
	s18 =	simm.s32 $0x14080;
	s19 =	simm.s32 $0x18800  }
0x6: {  	s20 =	simm.s32 $0x14100;
	s21 =	simm.s32 $0x14480;
	s22 =	simm.s32 $0x14180  }
0x7: {  	s23 =	simm.s32 $0x14500;
	s28 =	simm.s32 $0x14600;
	s29 =	simm.s32 $0x14300  }
0x8: {  	s30 =	simm.s32 $0x14680;
	s31 =	simm.s32 $0x14380;
	s5 =	smul.u32 $0x2800, s8  }
0x9: {  	s0 =	sand.u32 $0x1, s0;
	[smem:$0x7FF] =	sst s3;
	s24 =	smul.u32 $0x50000, s8  }
0xa: {  	s9 =	sadd.s32 $0x6E600, s1;
	s8 =	sshll.u32 s8, $0x6;
	s4 =	smul.u32 $0x1400, s0  }
0xb: {  	s7 =	smul.u32 $0x28000, s0;
	_ =	strace $0x8000004D;
	s0 =	ssub.s32 $0x2, s0  }
0xc: {  	[dreg:$0x3] =	wrdreg s9;
	s25 =	sshrl.u32 s0, $0x1;
	s6 =	sadd.s32 s4, s5  }
0xd: {  	s4 =	sadd.s32 $0x6E00, s1;
	s5 =	sadd.s32 s5, s7;
	s7 =	sshrl.u32 s24, $0x2  }
0xe: {  	s0 =	ssub.s32 s0, s25;
	s24 =	simm.s32 $0x14200;
	s25 =	simm.s32 $0x14580  }
0xf: {  	s6 =	sshrl.u32 s6, $0x3;
	s26 =	sadd.s32 s7, s2;
	s7 =	sor.u32 $0x1C02, s8  }
0x10: {  	s0 =	smax.u32 s0, $0x1;
	s8 =	simm.s32 $0x0;
	s6 =	sadd.s32 s6, s1  }
0x11: {  	s1 =	sadd.s32 s5, s1;
	[dreg:$0x6] =	wrdreg s0;
	s0 =	simm.s32 $0x14780  }
0x12: {  	[dreg:$0x4] =	wrdreg s7;
	s1 =	sadd.s32 $0x70E00, s1;
	s9 =	sadd.s32 $0x1E00, s6  }
0x13: {  	s10 =	sadd.s32 $0x5F600, s6;
	s6 =	sshrl.u32 s26, $0x3;
	[dreg:$0x5] =	wrdreg s1  }
0x14: {  	s26 =	simm.s32 $0x14280;
	s1 =	simm.s32 $0x14700;
	[dreg:$0x7] =	wrdreg s6  }
.LBB2_1:
0x15: {  	[dreg:$0x8] =	wrdreg s8  }
0x16: {  	s5 =	rddreg [dreg:$0x3]  }
0x17: {  	[spmem:s6], [sflag:s7] =	dma.local [hbm:s5], $0x2800  }
0x18: {  	_ =	swait.ge [sflag:s12], $0x2800  }
0x19: {  	[sflag:s12] =	ssyncset.done $0x0  }
0x1a: {  	[sflag:s12] =	ssyncadd.s32 $0xFFFFD800  }
0x1b: {  	s8 =	sadd.s32 $0x0, s10;
	[bflag:$0x0] =	sbarrier.arrive $0xFFFF  }
0x1c: {  	[tilespmem:s13], [sflag:$0x2] =	stream.linear.gather [hbm4b:s8+s3], $0x400, $0x38;
	[tilespmem:$0x1C800] =	vst v63  }
0x1d: {  	_ =	swait.ge [sflag:s12], $0x400  }
0x1e: {  	[sflag:s12] =	ssyncset.done $0x0  }
0x1f: {  	s11 =	sadd.s32 $0x0, s9;
	[sflag:s12] =	ssyncadd.s32 $0xFFFFFC00  }
0x20: {  	[tilespmem:s14], [sflag:$0x2] =	stream.linear.gather [hbm4b:s11+s3], $0x400, $0x38;
	[tilespmem:$0x1C800] =	vst v63  }
0x21: {  	_ =	swait.ge [sflag:s12], $0x400  }
0x22: {  	[sflag:s12] =	ssyncset.done $0x0  }
0x23: {  	[sflag:s12] =	ssyncadd.s32 $0xFFFFFC00  }
0x24: {  	[tilespmem:s16], [sflag:$0x1] =	stream.indirect.gather [hbm4b:s4+s15], $0x80, s13, s15, $0xb8;
	[tilespmem:$0x1C800] =	vst v63  }
0x25: {  	_ =	swait.ge [sflag:s17], $0x4000  }
0x26: {  	[sflag:s17] =	ssyncset.done $0x0  }
0x27: {  	[sflag:s17] =	ssyncadd.s32 $0xFFFFC000  }
0x28: {  	[tilespmem:s19], [sflag:$0x1] =	stream.indirect.gather [hbm4b:s4+s15], $0x80, s18, s15, $0xb8;
	[tilespmem:$0x1C800] =	vst v63  }
0x29: {  	_ = 	snop  }
0x2a: {  	[spmem:s2] =	stream.indirect.scatter.add.f32 [tilespmem:s16], [sflag:$0x2], $0x80, s14, s15, $0xb8;
	[tilespmem:$0x1C800] =	vst v63  }
0x2b: {  	_ =	swait.ge [sflag:s12], $0x4000  }
0x2c: {  	[sflag:s12] =	ssyncset.done $0x0  }
0x2d: {  	[sflag:s12] =	ssyncadd.s32 $0xFFFFC000  }
0x2e: {  	_ =	swait.ge [sflag:s17], $0x4000  }
0x2f: {  	[sflag:s17] =	ssyncset.done $0x0  }
0x30: {  	[sflag:s17] =	ssyncadd.s32 $0xFFFFC000  }
0x31: {  	[tilespmem:s16], [sflag:$0x1] =	stream.indirect.gather [hbm4b:s4+s15], $0x80, s20, s15, $0xb8;
	[tilespmem:$0x1C800] =	vst v63  }
0x32: {  	_ = 	snop  }
0x33: {  	[spmem:s2] =	stream.indirect.scatter.add.f32 [tilespmem:s19], [sflag:$0x2], $0x80, s21, s15, $0xb8;
	[tilespmem:$0x1C800] =	vst v63  }
0x34: {  	_ =	swait.ge [sflag:s12], $0x4000  }
0x35: {  	[sflag:s12] =	ssyncset.done $0x0  }
0x36: {  	[sflag:s12] =	ssyncadd.s32 $0xFFFFC000  }
0x37: {  	_ =	swait.ge [sflag:s17], $0x4000  }
0x38: {  	[sflag:s17] =	ssyncset.done $0x0  }
0x39: {  	[sflag:s17] =	ssyncadd.s32 $0xFFFFC000  }
0x3a: {  	[tilespmem:s19], [sflag:$0x1] =	stream.indirect.gather [hbm4b:s4+s15], $0x80, s22, s15, $0xb8;
	[tilespmem:$0x1C800] =	vst v63  }
0x3b: {  	_ = 	snop  }
0x3c: {  	[spmem:s2] =	stream.indirect.scatter.add.f32 [tilespmem:s16], [sflag:$0x2], $0x80, s23, s15, $0xb8;
	[tilespmem:$0x1C800] =	vst v63  }
0x3d: {  	_ =	swait.ge [sflag:s12], $0x4000  }
0x3e: {  	[sflag:s12] =	ssyncset.done $0x0  }
0x3f: {  	[sflag:s12] =	ssyncadd.s32 $0xFFFFC000  }
0x40: {  	_ =	swait.ge [sflag:s17], $0x4000  }
0x41: {  	[sflag:s17] =	ssyncset.done $0x0  }
0x42: {  	[sflag:s17] =	ssyncadd.s32 $0xFFFFC000  }
0x43: {  	[tilespmem:s16], [sflag:$0x1] =	stream.indirect.gather [hbm4b:s4+s15], $0x80, s24, s15, $0xb8;
	[tilespmem:$0x1C800] =	vst v63  }
0x44: {  	_ = 	snop  }
0x45: {  	[spmem:s2] =	stream.indirect.scatter.add.f32 [tilespmem:s19], [sflag:$0x2], $0x80, s25, s15, $0xb8;
	[tilespmem:$0x1C800] =	vst v63  }
0x46: {  	_ =	swait.ge [sflag:s12], $0x4000  }
0x47: {  	[sflag:s12] =	ssyncset.done $0x0  }
0x48: {  	[sflag:s12] =	ssyncadd.s32 $0xFFFFC000  }
0x49: {  	_ =	swait.ge [sflag:s17], $0x4000  }
0x4a: {  	[sflag:s17] =	ssyncset.done $0x0  }
0x4b: {  	[sflag:s17] =	ssyncadd.s32 $0xFFFFC000  }
0x4c: {  	[tilespmem:s19], [sflag:$0x1] =	stream.indirect.gather [hbm4b:s4+s15], $0x80, s26, s15, $0xb8;
	[tilespmem:$0x1C800] =	vst v63  }
0x4d: {  	_ = 	snop  }
0x4e: {  	[spmem:s2] =	stream.indirect.scatter.add.f32 [tilespmem:s16], [sflag:$0x2], $0x80, s28, s15, $0xb8;
	[tilespmem:$0x1C800] =	vst v63  }
0x4f: {  	_ =	swait.ge [sflag:s12], $0x4000  }
0x50: {  	[sflag:s12] =	ssyncset.done $0x0  }
0x51: {  	[sflag:s12] =	ssyncadd.s32 $0xFFFFC000  }
0x52: {  	_ =	swait.ge [sflag:s17], $0x4000  }
0x53: {  	[sflag:s17] =	ssyncset.done $0x0  }
0x54: {  	[sflag:s17] =	ssyncadd.s32 $0xFFFFC000  }
0x55: {  	[tilespmem:s16], [sflag:$0x1] =	stream.indirect.gather [hbm4b:s4+s15], $0x80, s29, s15, $0xb8;
	[tilespmem:$0x1C800] =	vst v63  }
0x56: {  	_ = 	snop  }
0x57: {  	[spmem:s2] =	stream.indirect.scatter.add.f32 [tilespmem:s19], [sflag:$0x2], $0x80, s30, s15, $0xb8;
	[tilespmem:$0x1C800] =	vst v63  }
0x58: {  	_ =	swait.ge [sflag:s12], $0x4000  }
0x59: {  	[sflag:s12] =	ssyncset.done $0x0  }
0x5a: {  	[sflag:s12] =	ssyncadd.s32 $0xFFFFC000  }
0x5b: {  	_ =	swait.ge [sflag:s17], $0x4000  }
0x5c: {  	[sflag:s17] =	ssyncset.done $0x0  }
0x5d: {  	[sflag:s17] =	ssyncadd.s32 $0xFFFFC000  }
0x5e: {  	[tilespmem:s19], [sflag:$0x1] =	stream.indirect.gather [hbm4b:s4+s15], $0x80, s31, s15, $0xb8;
	[tilespmem:$0x1C800] =	vst v63  }
0x5f: {  	_ = 	snop  }
0x60: {  	[spmem:s2] =	stream.indirect.scatter.add.f32 [tilespmem:s16], [sflag:$0x2], $0x80, s1, s15, $0xb8;
	[tilespmem:$0x1C800] =	vst v63  }
0x61: {  	_ =	swait.ge [sflag:s12], $0x4000  }
0x62: {  	[sflag:s12] =	ssyncset.done $0x0  }
0x63: {  	[sflag:s12] =	ssyncadd.s32 $0xFFFFC000  }
0x64: {  	_ =	swait.ge [sflag:s17], $0x4000  }
0x65: {  	[sflag:s17] =	ssyncset.done $0x0  }
0x66: {  	[sflag:s17] =	ssyncadd.s32 $0xFFFFC000  }
0x67: {  	[spmem:s2] =	stream.indirect.scatter.add.f32 [tilespmem:s19], [sflag:$0x2], $0x80, s0, s15, $0xb8;
	[tilespmem:$0x1C800] =	vst v63  }
0x68: {  	_ =	swait.ge [sflag:s12], $0x4000  }
0x69: {  	s7 =	simm.s32 $0x80;
	s8 =	simm.s32 $0x100;
	[sflag:s12] =	ssyncset.done $0x0  }
.LBB2_2:
0x6a: {  	s11 =	sadd.s32 s7, s10  }
0x6b: {  	[sflag:s12] =	ssyncadd.s32 $0xFFFFC000;
	s5 =	smov.u32 s8;
	s6 =	sadd.s32 $0x80, s8  }
0x6c: {  	[tilespmem:s13], [sflag:$0x2] =	stream.linear.gather [hbm4b:s11+s3], $0x400, $0x38;
	[tilespmem:$0x1C800] =	vst v63  }
0x6d: {  	p0 =	sne.s32 s8, $0x200;
	_ =	swait.ge [sflag:s12], $0x400  }
0x6e: {  	[sflag:s12] =	ssyncset.done $0x0  }
0x6f: {  	s8 =	sadd.s32 s7, s9;
	s7 =	smov.u32 s5;
	[sflag:s12] =	ssyncadd.s32 $0xFFFFFC00  }
0x70: {  	[tilespmem:s14], [sflag:$0x2] =	stream.linear.gather [hbm4b:s8+s3], $0x400, $0x38;
	[tilespmem:$0x1C800] =	vst v63  }
0x71: {  	_ =	swait.ge [sflag:s12], $0x400  }
0x72: {  	[sflag:s12] =	ssyncset.done $0x0  }
0x73: {  	[sflag:s12] =	ssyncadd.s32 $0xFFFFFC00  }
0x74: {  	[tilespmem:s16], [sflag:$0x1] =	stream.indirect.gather [hbm4b:s4+s15], $0x80, s13, s15, $0xb8;
	[tilespmem:$0x1C800] =	vst v63  }
0x75: {  	_ =	swait.ge [sflag:s17], $0x4000  }
0x76: {  	[sflag:s17] =	ssyncset.done $0x0  }
0x77: {  	[sflag:s17] =	ssyncadd.s32 $0xFFFFC000  }
0x78: {  	[tilespmem:s19], [sflag:$0x1] =	stream.indirect.gather [hbm4b:s4+s15], $0x80, s18, s15, $0xb8;
	[tilespmem:$0x1C800] =	vst v63  }
0x79: {  	_ = 	snop  }
0x7a: {  	[spmem:s2] =	stream.indirect.scatter.add.f32 [tilespmem:s16], [sflag:$0x2], $0x80, s14, s15, $0xb8;
	[tilespmem:$0x1C800] =	vst v63  }
0x7b: {  	_ =	swait.ge [sflag:s12], $0x4000  }
0x7c: {  	[sflag:s12] =	ssyncset.done $0x0  }
0x7d: {  	[sflag:s12] =	ssyncadd.s32 $0xFFFFC000  }
0x7e: {  	_ =	swait.ge [sflag:s17], $0x4000  }
0x7f: {  	[sflag:s17] =	ssyncset.done $0x0  }
0x80: {  	[sflag:s17] =	ssyncadd.s32 $0xFFFFC000  }
0x81: {  	[tilespmem:s16], [sflag:$0x1] =	stream.indirect.gather [hbm4b:s4+s15], $0x80, s20, s15, $0xb8;
	[tilespmem:$0x1C800] =	vst v63  }
0x82: {  	_ = 	snop  }
0x83: {  	[spmem:s2] =	stream.indirect.scatter.add.f32 [tilespmem:s19], [sflag:$0x2], $0x80, s21, s15, $0xb8;
	[tilespmem:$0x1C800] =	vst v63  }
0x84: {  	_ =	swait.ge [sflag:s12], $0x4000  }
0x85: {  	[sflag:s12] =	ssyncset.done $0x0  }
0x86: {  	[sflag:s12] =	ssyncadd.s32 $0xFFFFC000  }
0x87: {  	_ =	swait.ge [sflag:s17], $0x4000  }
0x88: {  	[sflag:s17] =	ssyncset.done $0x0  }
0x89: {  	[sflag:s17] =	ssyncadd.s32 $0xFFFFC000  }
0x8a: {  	[tilespmem:s19], [sflag:$0x1] =	stream.indirect.gather [hbm4b:s4+s15], $0x80, s22, s15, $0xb8;
	[tilespmem:$0x1C800] =	vst v63  }
0x8b: {  	_ = 	snop  }
0x8c: {  	[spmem:s2] =	stream.indirect.scatter.add.f32 [tilespmem:s16], [sflag:$0x2], $0x80, s23, s15, $0xb8;
	[tilespmem:$0x1C800] =	vst v63  }
0x8d: {  	_ =	swait.ge [sflag:s12], $0x4000  }
0x8e: {  	[sflag:s12] =	ssyncset.done $0x0  }
0x8f: {  	[sflag:s12] =	ssyncadd.s32 $0xFFFFC000  }
0x90: {  	_ =	swait.ge [sflag:s17], $0x4000  }
0x91: {  	[sflag:s17] =	ssyncset.done $0x0  }
0x92: {  	[sflag:s17] =	ssyncadd.s32 $0xFFFFC000  }
0x93: {  	[tilespmem:s16], [sflag:$0x1] =	stream.indirect.gather [hbm4b:s4+s15], $0x80, s24, s15, $0xb8;
	[tilespmem:$0x1C800] =	vst v63  }
0x94: {  	_ = 	snop  }
0x95: {  	[spmem:s2] =	stream.indirect.scatter.add.f32 [tilespmem:s19], [sflag:$0x2], $0x80, s25, s15, $0xb8;
	[tilespmem:$0x1C800] =	vst v63  }
0x96: {  	_ =	swait.ge [sflag:s12], $0x4000  }
0x97: {  	[sflag:s12] =	ssyncset.done $0x0  }
0x98: {  	[sflag:s12] =	ssyncadd.s32 $0xFFFFC000  }
0x99: {  	_ =	swait.ge [sflag:s17], $0x4000  }
0x9a: {  	[sflag:s17] =	ssyncset.done $0x0  }
0x9b: {  	[sflag:s17] =	ssyncadd.s32 $0xFFFFC000  }
0x9c: {  	[tilespmem:s19], [sflag:$0x1] =	stream.indirect.gather [hbm4b:s4+s15], $0x80, s26, s15, $0xb8;
	[tilespmem:$0x1C800] =	vst v63  }
0x9d: {  	_ = 	snop  }
0x9e: {  	[spmem:s2] =	stream.indirect.scatter.add.f32 [tilespmem:s16], [sflag:$0x2], $0x80, s28, s15, $0xb8;
	[tilespmem:$0x1C800] =	vst v63  }
0x9f: {  	_ =	swait.ge [sflag:s12], $0x4000  }
0xa0: {  	[sflag:s12] =	ssyncset.done $0x0  }
0xa1: {  	[sflag:s12] =	ssyncadd.s32 $0xFFFFC000  }
0xa2: {  	_ =	swait.ge [sflag:s17], $0x4000  }
0xa3: {  	[sflag:s17] =	ssyncset.done $0x0  }
0xa4: {  	[sflag:s17] =	ssyncadd.s32 $0xFFFFC000  }
0xa5: {  	[tilespmem:s16], [sflag:$0x1] =	stream.indirect.gather [hbm4b:s4+s15], $0x80, s29, s15, $0xb8;
	[tilespmem:$0x1C800] =	vst v63  }
0xa6: {  	_ = 	snop  }
0xa7: {  	[spmem:s2] =	stream.indirect.scatter.add.f32 [tilespmem:s19], [sflag:$0x2], $0x80, s30, s15, $0xb8;
	[tilespmem:$0x1C800] =	vst v63  }
0xa8: {  	_ =	swait.ge [sflag:s12], $0x4000  }
0xa9: {  	[sflag:s12] =	ssyncset.done $0x0  }
0xaa: {  	[sflag:s12] =	ssyncadd.s32 $0xFFFFC000  }
0xab: {  	_ =	swait.ge [sflag:s17], $0x4000  }
0xac: {  	[sflag:s17] =	ssyncset.done $0x0  }
0xad: {  	[sflag:s17] =	ssyncadd.s32 $0xFFFFC000  }
0xae: {  	[tilespmem:s19], [sflag:$0x1] =	stream.indirect.gather [hbm4b:s4+s15], $0x80, s31, s15, $0xb8;
	[tilespmem:$0x1C800] =	vst v63  }
0xaf: {  	_ = 	snop  }
0xb0: {  	[spmem:s2] =	stream.indirect.scatter.add.f32 [tilespmem:s16], [sflag:$0x2], $0x80, s1, s15, $0xb8;
	[tilespmem:$0x1C800] =	vst v63  }
0xb1: {  	_ =	swait.ge [sflag:s12], $0x4000  }
0xb2: {  	[sflag:s12] =	ssyncset.done $0x0  }
0xb3: {  	[sflag:s12] =	ssyncadd.s32 $0xFFFFC000  }
0xb4: {  	_ =	swait.ge [sflag:s17], $0x4000  }
.Ltmp0:
0xb5: {  	[sflag:s17] =	ssyncset.done $0x0;
	(pc) =	sbr.rel @p0 .LBB2_2-.Ltmp0, $4  }
0xb6: {  	[sflag:s17] =	ssyncadd.s32 $0xFFFFC000  }
0xb7: {  	[spmem:s2] =	stream.indirect.scatter.add.f32 [tilespmem:s19], [sflag:$0x2], $0x80, s0, s15, $0xb8;
	[tilespmem:$0x1C800] =	vst v63  }
0xb8: {  	_ =	swait.ge [sflag:s12], $0x4000  }
0xb9: {  	s8 =	smov.u32 s6;
	[sflag:s12] =	ssyncset.done $0x0  }
0xba: {  	s5 =	sadd.s32 s7, s10;
	[sflag:s12] =	ssyncadd.s32 $0xFFFFC000  }
0xbb: {  	[tilespmem:s13], [sflag:$0x2] =	stream.linear.gather [hbm4b:s5+s3], $0x400, $0x38;
	[tilespmem:$0x1C800] =	vst v63  }
0xbc: {  	_ =	swait.ge [sflag:s12], $0x400  }
0xbd: {  	[sflag:s12] =	ssyncset.done $0x0  }
0xbe: {  	s7 =	sadd.s32 s7, s9;
	[sflag:s12] =	ssyncadd.s32 $0xFFFFFC00  }
0xbf: {  	[tilespmem:s14], [sflag:$0x2] =	stream.linear.gather [hbm4b:s7+s3], $0x400, $0x38;
	[tilespmem:$0x1C800] =	vst v63  }
0xc0: {  	_ =	swait.ge [sflag:s12], $0x400  }
0xc1: {  	[sflag:s12] =	ssyncset.done $0x0  }
0xc2: {  	[sflag:s12] =	ssyncadd.s32 $0xFFFFFC00  }
0xc3: {  	[tilespmem:s16], [sflag:$0x1] =	stream.indirect.gather [hbm4b:s4+s15], $0x80, s13, s15, $0xb8;
	[tilespmem:$0x1C800] =	vst v63  }
0xc4: {  	_ =	swait.ge [sflag:s17], $0x4000  }
0xc5: {  	[sflag:s17] =	ssyncset.done $0x0  }
0xc6: {  	[sflag:s17] =	ssyncadd.s32 $0xFFFFC000  }
0xc7: {  	[tilespmem:s19], [sflag:$0x1] =	stream.indirect.gather [hbm4b:s4+s15], $0x80, s18, s15, $0xb8;
	[tilespmem:$0x1C800] =	vst v63  }
0xc8: {  	_ = 	snop  }
0xc9: {  	[spmem:s2] =	stream.indirect.scatter.add.f32 [tilespmem:s16], [sflag:$0x2], $0x80, s14, s15, $0xb8;
	[tilespmem:$0x1C800] =	vst v63  }
0xca: {  	_ =	swait.ge [sflag:s12], $0x4000  }
0xcb: {  	[sflag:s12] =	ssyncset.done $0x0  }
0xcc: {  	[sflag:s12] =	ssyncadd.s32 $0xFFFFC000  }
0xcd: {  	_ =	swait.ge [sflag:s17], $0x4000  }
0xce: {  	[sflag:s17] =	ssyncset.done $0x0  }
0xcf: {  	[sflag:s17] =	ssyncadd.s32 $0xFFFFC000  }
0xd0: {  	[tilespmem:s16], [sflag:$0x1] =	stream.indirect.gather [hbm4b:s4+s15], $0x80, s20, s15, $0xb8;
	[tilespmem:$0x1C800] =	vst v63  }
0xd1: {  	_ = 	snop  }
0xd2: {  	[spmem:s2] =	stream.indirect.scatter.add.f32 [tilespmem:s19], [sflag:$0x2], $0x80, s21, s15, $0xb8;
	[tilespmem:$0x1C800] =	vst v63  }
0xd3: {  	_ =	swait.ge [sflag:s12], $0x4000  }
0xd4: {  	[sflag:s12] =	ssyncset.done $0x0  }
0xd5: {  	[sflag:s12] =	ssyncadd.s32 $0xFFFFC000  }
0xd6: {  	_ =	swait.ge [sflag:s17], $0x4000  }
0xd7: {  	[sflag:s17] =	ssyncset.done $0x0  }
0xd8: {  	[sflag:s17] =	ssyncadd.s32 $0xFFFFC000  }
0xd9: {  	[tilespmem:s19], [sflag:$0x1] =	stream.indirect.gather [hbm4b:s4+s15], $0x80, s22, s15, $0xb8;
	[tilespmem:$0x1C800] =	vst v63  }
0xda: {  	_ = 	snop  }
0xdb: {  	[spmem:s2] =	stream.indirect.scatter.add.f32 [tilespmem:s16], [sflag:$0x2], $0x80, s23, s15, $0xb8;
	[tilespmem:$0x1C800] =	vst v63  }
0xdc: {  	_ =	swait.ge [sflag:s12], $0x4000  }
0xdd: {  	[sflag:s12] =	ssyncset.done $0x0  }
0xde: {  	[sflag:s12] =	ssyncadd.s32 $0xFFFFC000  }
0xdf: {  	_ =	swait.ge [sflag:s17], $0x4000  }
0xe0: {  	[sflag:s17] =	ssyncset.done $0x0  }
0xe1: {  	[sflag:s17] =	ssyncadd.s32 $0xFFFFC000  }
0xe2: {  	[tilespmem:s16], [sflag:$0x1] =	stream.indirect.gather [hbm4b:s4+s15], $0x80, s24, s15, $0xb8;
	[tilespmem:$0x1C800] =	vst v63  }
0xe3: {  	_ = 	snop  }
0xe4: {  	[spmem:s2] =	stream.indirect.scatter.add.f32 [tilespmem:s19], [sflag:$0x2], $0x80, s25, s15, $0xb8;
	[tilespmem:$0x1C800] =	vst v63  }
0xe5: {  	_ =	swait.ge [sflag:s12], $0x4000  }
0xe6: {  	[sflag:s12] =	ssyncset.done $0x0  }
0xe7: {  	[sflag:s12] =	ssyncadd.s32 $0xFFFFC000  }
0xe8: {  	_ =	swait.ge [sflag:s17], $0x4000  }
0xe9: {  	[sflag:s17] =	ssyncset.done $0x0  }
0xea: {  	[sflag:s17] =	ssyncadd.s32 $0xFFFFC000  }
0xeb: {  	[tilespmem:s19], [sflag:$0x1] =	stream.indirect.gather [hbm4b:s4+s15], $0x80, s26, s15, $0xb8;
	[tilespmem:$0x1C800] =	vst v63  }
0xec: {  	_ = 	snop  }
0xed: {  	[spmem:s2] =	stream.indirect.scatter.add.f32 [tilespmem:s16], [sflag:$0x2], $0x80, s28, s15, $0xb8;
	[tilespmem:$0x1C800] =	vst v63  }
0xee: {  	_ =	swait.ge [sflag:s12], $0x4000  }
0xef: {  	[sflag:s12] =	ssyncset.done $0x0  }
0xf0: {  	[sflag:s12] =	ssyncadd.s32 $0xFFFFC000  }
0xf1: {  	_ =	swait.ge [sflag:s17], $0x4000  }
0xf2: {  	[sflag:s17] =	ssyncset.done $0x0  }
0xf3: {  	[sflag:s17] =	ssyncadd.s32 $0xFFFFC000  }
0xf4: {  	[tilespmem:s16], [sflag:$0x1] =	stream.indirect.gather [hbm4b:s4+s15], $0x80, s29, s15, $0xb8;
	[tilespmem:$0x1C800] =	vst v63  }
0xf5: {  	_ = 	snop  }
0xf6: {  	[spmem:s2] =	stream.indirect.scatter.add.f32 [tilespmem:s19], [sflag:$0x2], $0x80, s30, s15, $0xb8;
	[tilespmem:$0x1C800] =	vst v63  }
0xf7: {  	_ =	swait.ge [sflag:s12], $0x4000  }
0xf8: {  	[sflag:s12] =	ssyncset.done $0x0  }
0xf9: {  	[sflag:s12] =	ssyncadd.s32 $0xFFFFC000  }
0xfa: {  	_ =	swait.ge [sflag:s17], $0x4000  }
0xfb: {  	[sflag:s17] =	ssyncset.done $0x0  }
0xfc: {  	[sflag:s17] =	ssyncadd.s32 $0xFFFFC000  }
0xfd: {  	[tilespmem:s19], [sflag:$0x1] =	stream.indirect.gather [hbm4b:s4+s15], $0x80, s31, s15, $0xb8;
	[tilespmem:$0x1C800] =	vst v63  }
0xfe: {  	_ = 	snop  }
0xff: {  	[spmem:s2] =	stream.indirect.scatter.add.f32 [tilespmem:s16], [sflag:$0x2], $0x80, s1, s15, $0xb8;
	[tilespmem:$0x1C800] =	vst v63  }
0x100: {  	_ =	swait.ge [sflag:s12], $0x4000  }
0x101: {  	[sflag:s12] =	ssyncset.done $0x0  }
0x102: {  	[sflag:s12] =	ssyncadd.s32 $0xFFFFC000  }
0x103: {  	_ =	swait.ge [sflag:s17], $0x4000  }
0x104: {  	[sflag:s17] =	ssyncset.done $0x0  }
0x105: {  	[sflag:s17] =	ssyncadd.s32 $0xFFFFC000  }
0x106: {  	[spmem:s2] =	stream.indirect.scatter.add.f32 [tilespmem:s19], [sflag:$0x2], $0x80, s0, s15, $0xb8;
	[tilespmem:$0x1C800] =	vst v63  }
0x107: {  	_ =	swait.ge [sflag:s12], $0x4000  }
0x108: {  	[sflag:s12] =	ssyncset.done $0x0  }
0x109: {  	[sflag:s12] =	ssyncadd.s32 $0xFFFFC000  }
0x10a: {  	[bflag:$0x0] =	sbarrier.arrive $0xFFFF  }
0x10b: {  	s7 =	rddreg [dreg:$0x4]  }
0x10c: {  	s8 =	rddreg [dreg:$0x5]  }
0x10d: {  	s6 =	rddreg [dreg:$0x7]  }
0x10e: {  	[hbm:s8], [sflag:s7] =	dma.local [spmem:s6], $0x2800  }
0x10f: {  	_ =	swait.ge [sflag:s12], $0x2800  }
0x110: {  	s8 =	rddreg [dreg:$0x8]  }
0x111: {  	s11 =	rddreg [dreg:$0x6];
	s8 =	sadd.s32 $0x1, s8  }
0x112: {  	p0 =	sne.s32 s8, s11  }
.Ltmp1:
0x113: {  	_ = 	snop;
	(pc) =	sbr.rel @p0 .LBB2_1-.Ltmp1, $3  }
0x114: {  	_ =	sdelay $0x1  }
0x115: {  	[sflag:s12] =	ssyncset.done $0x0  }
0x116: {  	[sflag:s12] =	ssyncadd.s32 $0xFFFFD800  }
0x117: {  	_ =	sfence.sel $0x180000  }
0x118: {  	[bflag:$0x0] =	sbarrier.arrive $0xFFFF  }
0x119: {  	_ =	strace $0x9000004D  }
0x11a: {  	s0 =	stileid.u32;
	[bflag:$0x2] =	sbarrier.arrive $0xFFFF  }
0x11b: {  	p0 =	sne.s32 s0, $0x0;
	s0 =	rddreg [dreg:$0x2]  }
0x11c: {  	s0 =	sadd.s32 @!p0 $0x100000, s0  }
0x11d: {  	[sflag:s0] =	ssyncadd.tile.s32 @!p0 $0x1;
	_ =	shalt  }
.Lfunc_end2:
_tile_overlayer_lowered:
.L_overlay_start_2:
0x11e: {  	(tag) =	ssettag $0x2  }
0x11f: {  	s0 =	rddreg [dreg:$0x0];
	s2 =	stileid.u32  }
0x120: {  	s1 =	rddreg [dreg:$0x1];
	p0 =	sne.s32 s2, $0x0  }
0x121: {  	s3 =	rddreg [dreg:$0x2];
	[bflag:$0x3] =	sbarrier.arrive $0xFFFF;
	s2 =	simm.s32 @!p0 $0x1C02  }
0x122: {  	[timem:s3], [sflag:s2] =	dma.local @!p0 [hbm:s0], s1  }
0x123: {  	s0 =	simm.s32 @!p0 $0x2  }
0x124: {  	_ =	swait.ge @!p0 [sflag:s0], s1  }
0x125: {  	s1 =	ssub.s32 @!p0 $0x0, s1;
	[sflag:s0] =	ssyncset.done @!p0 $0x0  }
0x126: {  	[sflag:s0] =	ssyncadd.s32 @!p0 s1  }
0x127: {  	[bflag:$0x3] =	sbarrier.arrive $0xFFFF  }
0x128: {  	_ =	shalt  }

// kernel: kernel.7.cloned.1.call-start
scs
__scs_entry_jumppad:
0x0: {  	(pc) =	sbr.rel $0x88, $3  }
0x1: {  	(tag) =	ssettag $0x0;
	lr =	simm.s32 $0x1  }
0x2: {  	[smem:$0x3F96] =	sst lr;
	_ =	strace $0xD0000000  }
0x3: {  	_ = 	snop  }
0x4: {  	_ = 	snop  }
0x5: {  	_ = 	snop  }
0x6: {  	_ = 	snop  }
0x7: {  	_ = 	snop  }
__scs_overlays_trampoline_lowered:
0x8: {  	[smem:$0x3FA5] =	sst s0  }
0x9: {  	[smem:$0x3FA6] =	sst s1  }
0xa: {  	[smem:$0x3FA7] =	sst s2  }
0xb: {  	[smem:$0x3FA8] =	sst s3  }
0xc: {  	[smem:$0x3FA9] =	sst s4  }
0xd: {  	[smem:$0x3FAA] =	sst s5  }
0xe: {  	[smem:$0x3FAB] =	sst s6  }
0xf: {  	[smem:$0x3FAC] =	sst s7  }
0x10: {  	[smem:$0x3FAD] =	sst s8  }
0x11: {  	[smem:$0x3FAE] =	sst s9;
	s0 =	simm.s32 @!p0 $0x0  }
0x12: {  	s1 =	sld [smem:$0x3F94];
	s0 =	simm.s32 @p0 $0x1  }
0x13: {  	[smem:$0x3FAF] =	sst s0;
	s0 =	simm.s32 @!p1 $0x0  }
0x14: {  	s2 =	sld [smem:$0x3F93];
	s0 =	simm.s32 @p1 $0x1  }
0x15: {  	[smem:$0x3FB0] =	sst s0;
	s0 =	simm.s32 @!p2 $0x0  }
0x16: {  	s3 =	sld [smem:$0x3FDB];
	s0 =	simm.s32 @p2 $0x1  }
0x17: {  	s4 =	simm.s32 $0x1BF5;
	[smem:$0x3FB2] =	sst s0  }
0x18: {  	s0 =	sld [smem:$0x3F95];
	_ =	swait.ge [sflag:s4], $0x0  }
0x19: {  	s7 =	sld [smem:$0x3F96]  }
0x1a: {  	s8 =	sadd.s32 $0xFFFFE003, lr  }
0x1b: {  	s9 =	sadd.s32 $0xFFFFFEF7, lr;
	s5 =	simm.s32 $0xFFFFFFFF;
	p2 =	slt.u32 s8, $0xFFFFF086  }
0x1c: {  	p1 =	slt.u32 s9, $0xF7A;
	s5 =	simm.s32 @!p2 $0x0  }
0x1d: {  	s5 =	simm.s32 @p1 $0x1;
	p0 =	seq.s32 s7, s2  }
0x1e: {  	s7 =	smul.u32 @!p0 $0xF7A, s2;
	p2 =	seq.s32 @!p0 s5, $0x0  }
0x1f: {  	s9 =	smul.u32 $0xF7A, s1;
	s8 =	simm.s32 @!p0 $0x1BF5;
	p2 =	por !p2, p0  }
0x20: {  	[sflag:s8] =	ssyncset.s32 @!p0 $0xFFFFF086;
	s6 =	sadd.s32 @!p0 s3, s7;
	s7 =	simm.s32 @!p0 $0x108  }
0x21: {  	s3 =	sadd.s32 s3, s9;
	s6 =	sadd.s32 @!p0 $0x88, s6;
	s7 =	simm.s32 @p2 $0x1082  }
0x22: {  	[simem:s7], [sflag:s8] =	dma.local @!p0 [hbm:s6], $0xF7A  }
0x23: {  	s9 =	sor.u32 $0xD0000000, s2;
	s6 =	simm.s32 $0x108;
	_ =	swait.ge @!p0 [sflag:s8], $0x0  }
0x24: {  	s3 =	sadd.s32 $0x88, s3;
	s6 =	simm.s32 @!p1 $0x1082;
	[sflag:s4] =	ssyncset.s32 $0xFFFFF086  }
0x25: {  	[simem:s6], [sflag:s4] =	dma.local [hbm:s3], $0xF7A  }
0x26: {  	[smem:$0x3F96] =	sst s1;
	(tag) =	ssettag s2;
	_ =	strace s9  }
0x27: {  	s1 =	sld [smem:$0x3FA6]  }
0x28: {  	s2 =	sld [smem:$0x3FA7]  }
0x29: {  	s4 =	sld [smem:$0x3FA9]  }
0x2a: {  	p0 =	seq.s32 s5, $0x0;
	s5 =	sld [smem:$0x3FAA]  }
0x2b: {  	s6 =	sld [smem:$0x3FAB]  }
0x2c: {  	s7 =	sld [smem:$0x3FAC]  }
0x2d: {  	s3 =	simm.s32 $0x108;
	s8 =	sld [smem:$0x3FAD]  }
0x2e: {  	s3 =	simm.s32 @!p0 $0x1082;
	s9 =	sld [smem:$0x3FAE]  }
0x2f: {  	lr =	sadd.s32 s0, s3;
	s0 =	sld [smem:$0x3FA5]  }
0x30: {  	s3 =	sld [smem:$0x3FA8]  }
0x31: {  	[smem:$0x3FB1] =	sst s10  }
0x32: {  	s10 =	sld [smem:$0x3FAF];
	_ =	sdelay $0x3  }
0x33: {  	p0 =	seq.s32 s10, $0x1;
	s10 =	sld [smem:$0x3FB1];
	_ =	sdelay $0x3  }
0x34: {  	[smem:$0x3FB1] =	sst s10  }
0x35: {  	s10 =	sld [smem:$0x3FB0];
	_ =	sdelay $0x3  }
0x36: {  	p1 =	seq.s32 s10, $0x1;
	s10 =	sld [smem:$0x3FB1];
	_ =	sdelay $0x3  }
0x37: {  	[smem:$0x3FB1] =	sst s10  }
0x38: {  	s10 =	sld [smem:$0x3FB2]  }
0x39: {  	_ = 	snop;
	(pc) =	sbr.ind lr, $3  }
0x3a: {  	_ = 	snop  }
0x3b: {  	_ = 	snop  }
0x3c: {  	p2 =	seq.s32 s10, $0x1;
	s10 =	sld [smem:$0x3FB1]  }
0x3d: {  	_ =	shalt  }
0x3e: {  	_ =	shalt  }
0x3f: {  	_ =	shalt  }
0x40: {  	_ =	shalt  }
0x41: {  	_ =	shalt  }
0x42: {  	_ =	shalt  }
0x43: {  	_ =	shalt  }
0x44: {  	_ =	shalt  }
0x45: {  	_ =	shalt  }
0x46: {  	_ =	shalt  }
0x47: {  	_ =	shalt  }
0x48: {  	_ =	shalt  }
0x49: {  	_ =	shalt  }
0x4a: {  	_ =	shalt  }
0x4b: {  	_ =	shalt  }
0x4c: {  	_ =	shalt  }
0x4d: {  	_ =	shalt  }
0x4e: {  	_ =	shalt  }
0x4f: {  	_ =	shalt  }
0x50: {  	_ =	shalt  }
0x51: {  	_ =	shalt  }
0x52: {  	_ =	shalt  }
0x53: {  	_ =	shalt  }
0x54: {  	_ =	shalt  }
0x55: {  	_ =	shalt  }
0x56: {  	_ =	shalt  }
0x57: {  	_ =	shalt  }
0x58: {  	_ =	shalt  }
0x59: {  	_ =	shalt  }
0x5a: {  	_ =	shalt  }
0x5b: {  	_ =	shalt  }
0x5c: {  	_ =	shalt  }
0x5d: {  	_ =	shalt  }
0x5e: {  	_ =	shalt  }
0x5f: {  	_ =	shalt  }
0x60: {  	_ =	shalt  }
0x61: {  	_ =	shalt  }
0x62: {  	_ =	shalt  }
0x63: {  	_ =	shalt  }
0x64: {  	_ =	shalt  }
0x65: {  	_ =	shalt  }
0x66: {  	_ =	shalt  }
0x67: {  	_ =	shalt  }
0x68: {  	_ =	shalt  }
0x69: {  	_ =	shalt  }
0x6a: {  	_ =	shalt  }
0x6b: {  	_ =	shalt  }
0x6c: {  	_ =	shalt  }
0x6d: {  	_ =	shalt  }
0x6e: {  	_ =	shalt  }
0x6f: {  	_ =	shalt  }
0x70: {  	_ =	shalt  }
0x71: {  	_ =	shalt  }
0x72: {  	_ =	shalt  }
0x73: {  	_ =	shalt  }
0x74: {  	_ =	shalt  }
0x75: {  	_ =	shalt  }
0x76: {  	_ =	shalt  }
0x77: {  	_ =	shalt  }
0x78: {  	_ =	shalt  }
0x79: {  	_ =	shalt  }
0x7a: {  	_ =	shalt  }
0x7b: {  	_ =	shalt  }
0x7c: {  	_ =	shalt  }
0x7d: {  	_ =	shalt  }
0x7e: {  	_ =	shalt  }
0x7f: {  	_ =	shalt  }
0x80: {  	_ =	shalt  }
0x81: {  	_ =	shalt  }
0x82: {  	_ =	shalt  }
0x83: {  	_ =	shalt  }
0x84: {  	_ =	shalt  }
0x85: {  	_ =	shalt  }
0x86: {  	_ =	shalt  }
0x87: {  	_ =	shalt  }
.Lfunc_end0:
.L_simem_size_0:
called_computation_lowered:
.L_overlay_start_0:
0x88: {  	s2 =	sld [smem:$0x3FD9]  }
0x89: {  	s3 =	sld [smem:$0x3FFE];
	_ =	sdelay $0x1  }
0x8a: {  	s1 =	srdreg.scid  }
0x8b: {  	s0 =	sand.u32 $0x1, s1  }
0x8c: {  	s17 =	sshll.u32 s0, $0xA;
	s2 =	sadd.s32 s3, s2  }
0x8d: {  	s2 =	sadd.s32 s2, s17  }
0x8e: {  	[smem:$0x3FBD] =	sst s2  }
0x8f: {  	_ = 	snop  }
0x90: {  	(tm) =	ssettm $0x1  }
0x91: {  	s18 =	sld [smem:$0x3FFB];
	_ =	sdelay $0x3  }
0x92: {  	_ =	strace s18  }
0x93: {  	s2 =	sld [smem:$0x3FFC];
	_ =	sdelay $0x3  }
0x94: {  	_ =	strace s2  }
0x95: {  	s2 =	sld [smem:$0x3FFD];
	_ =	sdelay $0x3  }
0x96: {  	_ =	strace s2  }
0x97: {  	_ =	strace $0x8FFFFFFF  }
0x98: {  	s19 =	sld [smem:$0x3FDB];
	_ =	sdelay $0x1  }
0x99: {  	s20 =	simm.s32 $_scs_section_size  }
0x9a: {  	s4 =	simm.s32 $_size__tile_overlayer_lowered;
	s5 =	simm.s32 $_tile_overlayer_lowered  }
0x9b: {  	s6 =	simm.s32 $0x1BFF;
	s21 =	sshll.u32 s5, $0x1;
	s3 =	sadd.s32 s20, s19  }
0x9c: {  	s22 =	simm.s32 $0x0;
	s4 =	sshll.u32 s4, $0x1;
	s5 =	sadd.s32 s21, s3  }
0x9d: {  	[timem:s22], [sflag:s6] =	dma.local [hbm:s5], s4  }
0x9e: {  	_ =	swait.ge [sflag:s6], s4  }
0x9f: {  	s4 =	ssub.s32 $0x0, s4;
	[sflag:s6] =	ssyncset.done $0x0  }
0xa0: {  	[sflag:s6] =	ssyncadd.s32 s4;
	_ =	sdelay $0x1  }
0xa1: {  	s23 =	simm.s32 $0x1B8B  }
0xa2: {  	_ =	swait.ge [sflag:s23], $0x1  }
0xa3: {  	[sflag:s23] =	ssyncset.done $0x0  }
0xa4: {  	[sflag:s23] =	ssyncadd.s32 $0xFFFFFFFF  }
0xa5: {  	s4 =	sld [smem:$0x0]  }
0xa6: {  	s5 =	sand.u32 $0xFFFFFFFE, s1  }
0xa7: {  	p0 =	sne.s32 s1, s5  }
0xa8: {  	s5 =	sshll.u32 @p0 s5, $0xE  }
0xa9: {  	s5 =	sadd.s32 @p0 $0x11B8D, s5;
	s6 =	sshll.u32 @p0 s4, $0x11  }
0xaa: {  	s5 =	sor.u32 @p0 s6, s5  }
0xab: {  	[sflag:s5] =	ssyncadd.remote.s32 @p0 $0x1;
	_ =	sdelay $0x1  }
0xac: {  	s5 =	simm.s32 @p0 $0x1B8D  }
0xad: {  	_ =	swait.eq @p0 [sflag:s5], $0x1  }
0xae: {  	[sflag:s5] =	ssyncadd.s32 @p0 $0xFFFFFFFF  }
0xaf: {  	s6 =	sshll.u32 @!p0 s1, $0xE  }
0xb0: {  	s6 =	sor.u32 @!p0 $0x4000, s6;
	s5 =	simm.s32 @!p0 $0x1B8D  }
0xb1: {  	s4 =	sshll.u32 @!p0 s4, $0x11;
	s6 =	sadd.s32 @!p0 $0x11B8D, s6;
	_ =	swait.eq @!p0 [sflag:s5], $0x1  }
0xb2: {  	s4 =	sor.u32 @!p0 s4, s6;
	[sflag:s5] =	ssyncadd.s32 @!p0 $0xFFFFFFFF  }
0xb3: {  	s25 =	simm.s32 $0x1B8E;
	s24 =	sld [smem:$0x3FFE];
	[sflag:s4] =	ssyncadd.remote.s32 @!p0 $0x1  }
0xb4: {  	s26 =	simm.s32 $execute0_lowered;
	[smem:$0x3FD2] =	sst s25  }
0xb5: {  	s5 =	sshll.u32 s26, $0x1;
	_ =	strace $0x80000049;
	[dreg:$0x1] =	wrdreg $0xFFFFFFFF  }
0xb6: {  	s28 =	simm.s32 $_size_execute0_lowered;
	s3 =	sadd.s32 s3, s5;
	[dreg:$0x0] =	wrdreg $0x0  }
0xb7: {  	s5 =	sshll.u32 s28, $0x1;
	[dreg:$0x2] =	wrdreg s3  }
0xb8: {  	[dreg:$0x3] =	wrdreg s5  }
0xb9: {  	[dreg:$0x4] =	wrdreg $0xC0  }
0xba: {  	_ =	task [dreg:s22], $0x5FFFF  }
0xbb: {  	[dreg:$0x1] =	wrdreg $0xFFFFFFFF  }
0xbc: {  	[dreg:$0x0] =	wrdreg $0x60  }
0xbd: {  	[dreg:$0x2] =	wrdreg s24  }
0xbe: {  	[dreg:$0x3] =	wrdreg $0x0  }
0xbf: {  	[dreg:$0x4] =	wrdreg $0x9  }
0xc0: {  	_ =	task.clear_ibuf [dreg:s22], $0x5FFFF;
	_ =	strace $0x90000049  }
0xc1: {  	s29 =	simm.s32 $0x9;
	_ =	strace $0x8000004B  }
0xc2: {  	_ =	swait.ge [sflag:s29], $0x1  }
0xc3: {  	[sflag:s29] =	ssyncadd.s32 $0xFFFFFFFF  }
0xc4: {  	_ =	strace $0x9000004B  }
0xc5: {  	_ =	sfence  }
0xc6: {  	s30 =	sld [smem:$0x0];
	_ =	sdelay $0x2  }
0xc7: {  	s31 =	sshll.u32 s1, $0xD;
	s1 =	sshrl.u32 s1, $0x2  }
0xc8: {  	s4 =	sand.u32 $0x4000, s31;
	s1 =	sadd.s32 s1, s30  }
0xc9: {  	s0 =	sor.u32 s4, s0;
	s1 =	sshll.u32 s1, $0x11  }
0xca: {  	s0 =	sor.u32 s1, s0  }
0xcb: {  	s0 =	sadd.s32 $0x8F2B, s0  }
0xcc: {  	[sflag:s0] =	ssyncadd.remote.s32 $0x1  }
0xcd: {  	_ =	sfence.sel $0xFFFF  }
0xce: {  	[dreg:$0x0] =	wrdreg $0xFFFFFFFF;
	(pc) =	sbr.abs _section_cstart, $3  }
0xcf: {  	[dreg:$0x1] =	wrdreg $0xFFFFFFFF  }
0xd0: {  	_ =	task.clear_ibuf [dreg:s22], $0x2FFFF;
	_ =	strace $0x9FFFFFFF  }
0xd1: {  	(tm) =	ssettm $0x7FFFFFFF  }
tec
execute0_lowered:
.L_overlay_start_1:
0x0: {  	(tag) =	ssettag $0x1  }
0x1: {  	s0 =	srdreg.scid;
	s1 =	rddreg [dreg:$0x0]  }
0x2: {  	s9 =	stileid.u32;
	s2 =	rddreg [dreg:$0x1]  }
0x3: {  	s3 =	simm.s32 $0x0;
	s12 =	simm.s32 $0x2;
	s13 =	simm.s32 $0x14000  }
0x4: {  	s14 =	simm.s32 $0x14400;
	s15 =	simm.s32 $0x80;
	s16 =	simm.s32 $0x14800  }
0x5: {  	s17 =	simm.s32 $0x1;
	s18 =	simm.s32 $0x14080;
	s19 =	simm.s32 $0x18800  }
0x6: {  	s20 =	simm.s32 $0x14100;
	s21 =	simm.s32 $0x14480;
	s22 =	simm.s32 $0x14180  }
0x7: {  	s23 =	simm.s32 $0x14500;
	s24 =	simm.s32 $0x14200;
	s28 =	simm.s32 $0x14600  }
0x8: {  	s29 =	simm.s32 $0x14300;
	s30 =	simm.s32 $0x14680;
	s4 =	smul.u32 $0x2800, s9  }
0x9: {  	s31 =	simm.s32 $0x14380;
	s0 =	sand.u32 $0x1, s0;
	s6 =	smul.u32 $0x500, s9  }
0xa: {  	[smem:$0x7FF] =	sst s3;
	s8 =	smul.u32 $0x50000, s9;
	s10 =	sadd.s32 $0x6E600, s1  }
0xb: {  	s9 =	sshll.u32 s9, $0x6;
	s5 =	smul.u32 $0x28000, s0;
	_ =	strace $0x8000004A  }
0xc: {  	[dreg:$0x3] =	wrdreg s10;
	s0 =	ssub.s32 $0x2, s0;
	s6 =	sadd.s32 s6, s1  }
0xd: {  	s25 =	sshrl.u32 s0, $0x1;
	s8 =	sshrl.u32 s8, $0x2;
	s5 =	sadd.s32 s5, s4  }
0xe: {  	s4 =	sadd.s32 $0x11400, s1;
	s0 =	ssub.s32 s0, s25;
	s26 =	sadd.s32 s8, s2  }
0xf: {  	s8 =	sor.u32 $0x1C02, s9;
	s10 =	sadd.s32 $0x1E00, s6;
	s25 =	simm.s32 $0x14580  }
0x10: {  	s7 =	sshrl.u32 s5, $0x3;
	s0 =	smax.u32 s0, $0x1;
	s6 =	sshrl.u32 s26, $0x3  }
0x11: {  	s26 =	simm.s32 $0x14280;
	[dreg:$0x4] =	wrdreg s8;
	s7 =	sadd.s32 s7, s1  }
0x12: {  	s1 =	sadd.s32 s5, s1;
	[dreg:$0x6] =	wrdreg s0;
	s0 =	simm.s32 $0x14780  }
0x13: {  	[dreg:$0x7] =	wrdreg s6;
	s1 =	sadd.s32 $0x70E00, s1;
	s9 =	sadd.s32 $0x64600, s7  }
0x14: {  	s7 =	simm.s32 $0x0;
	[dreg:$0x5] =	wrdreg s1;
	s1 =	simm.s32 $0x14700  }
.LBB2_1:
0x15: {  	[dreg:$0x8] =	wrdreg s7  }
0x16: {  	s5 =	rddreg [dreg:$0x3]  }
0x17: {  	[spmem:s6], [sflag:s8] =	dma.local [hbm:s5], $0x2800  }
0x18: {  	_ =	swait.ge [sflag:s12], $0x2800  }
0x19: {  	[sflag:s12] =	ssyncset.done $0x0  }
0x1a: {  	[sflag:s12] =	ssyncadd.s32 $0xFFFFD800  }
0x1b: {  	s8 =	sadd.s32 $0x0, s9;
	[bflag:$0x0] =	sbarrier.arrive $0xFFFF  }
0x1c: {  	[tilespmem:s13], [sflag:$0x2] =	stream.linear.gather [hbm4b:s8+s3], $0x400, $0x38;
	[tilespmem:$0x1C800] =	vst v63  }
0x1d: {  	_ =	swait.ge [sflag:s12], $0x400  }
0x1e: {  	[sflag:s12] =	ssyncset.done $0x0  }
0x1f: {  	s11 =	sadd.s32 $0x0, s10;
	[sflag:s12] =	ssyncadd.s32 $0xFFFFFC00  }
0x20: {  	[tilespmem:s14], [sflag:$0x2] =	stream.linear.gather [hbm4b:s11+s3], $0x400, $0x38;
	[tilespmem:$0x1C800] =	vst v63  }
0x21: {  	_ =	swait.ge [sflag:s12], $0x400  }
0x22: {  	[sflag:s12] =	ssyncset.done $0x0  }
0x23: {  	[sflag:s12] =	ssyncadd.s32 $0xFFFFFC00  }
0x24: {  	[tilespmem:s16], [sflag:$0x1] =	stream.indirect.gather [hbm4b:s4+s15], $0x80, s13, s15, $0xb8;
	[tilespmem:$0x1C800] =	vst v63  }
0x25: {  	_ =	swait.ge [sflag:s17], $0x4000  }
0x26: {  	[sflag:s17] =	ssyncset.done $0x0  }
0x27: {  	[sflag:s17] =	ssyncadd.s32 $0xFFFFC000  }
0x28: {  	[tilespmem:s19], [sflag:$0x1] =	stream.indirect.gather [hbm4b:s4+s15], $0x80, s18, s15, $0xb8;
	[tilespmem:$0x1C800] =	vst v63  }
0x29: {  	_ = 	snop  }
0x2a: {  	[spmem:s2] =	stream.indirect.scatter.add.f32 [tilespmem:s16], [sflag:$0x2], $0x80, s14, s15, $0xb8;
	[tilespmem:$0x1C800] =	vst v63  }
0x2b: {  	_ =	swait.ge [sflag:s12], $0x4000  }
0x2c: {  	[sflag:s12] =	ssyncset.done $0x0  }
0x2d: {  	[sflag:s12] =	ssyncadd.s32 $0xFFFFC000  }
0x2e: {  	_ =	swait.ge [sflag:s17], $0x4000  }
0x2f: {  	[sflag:s17] =	ssyncset.done $0x0  }
0x30: {  	[sflag:s17] =	ssyncadd.s32 $0xFFFFC000  }
0x31: {  	[tilespmem:s16], [sflag:$0x1] =	stream.indirect.gather [hbm4b:s4+s15], $0x80, s20, s15, $0xb8;
	[tilespmem:$0x1C800] =	vst v63  }
0x32: {  	_ = 	snop  }
0x33: {  	[spmem:s2] =	stream.indirect.scatter.add.f32 [tilespmem:s19], [sflag:$0x2], $0x80, s21, s15, $0xb8;
	[tilespmem:$0x1C800] =	vst v63  }
0x34: {  	_ =	swait.ge [sflag:s12], $0x4000  }
0x35: {  	[sflag:s12] =	ssyncset.done $0x0  }
0x36: {  	[sflag:s12] =	ssyncadd.s32 $0xFFFFC000  }
0x37: {  	_ =	swait.ge [sflag:s17], $0x4000  }
0x38: {  	[sflag:s17] =	ssyncset.done $0x0  }
0x39: {  	[sflag:s17] =	ssyncadd.s32 $0xFFFFC000  }
0x3a: {  	[tilespmem:s19], [sflag:$0x1] =	stream.indirect.gather [hbm4b:s4+s15], $0x80, s22, s15, $0xb8;
	[tilespmem:$0x1C800] =	vst v63  }
0x3b: {  	_ = 	snop  }
0x3c: {  	[spmem:s2] =	stream.indirect.scatter.add.f32 [tilespmem:s16], [sflag:$0x2], $0x80, s23, s15, $0xb8;
	[tilespmem:$0x1C800] =	vst v63  }
0x3d: {  	_ =	swait.ge [sflag:s12], $0x4000  }
0x3e: {  	[sflag:s12] =	ssyncset.done $0x0  }
0x3f: {  	[sflag:s12] =	ssyncadd.s32 $0xFFFFC000  }
0x40: {  	_ =	swait.ge [sflag:s17], $0x4000  }
0x41: {  	[sflag:s17] =	ssyncset.done $0x0  }
0x42: {  	[sflag:s17] =	ssyncadd.s32 $0xFFFFC000  }
0x43: {  	[tilespmem:s16], [sflag:$0x1] =	stream.indirect.gather [hbm4b:s4+s15], $0x80, s24, s15, $0xb8;
	[tilespmem:$0x1C800] =	vst v63  }
0x44: {  	_ = 	snop  }
0x45: {  	[spmem:s2] =	stream.indirect.scatter.add.f32 [tilespmem:s19], [sflag:$0x2], $0x80, s25, s15, $0xb8;
	[tilespmem:$0x1C800] =	vst v63  }
0x46: {  	_ =	swait.ge [sflag:s12], $0x4000  }
0x47: {  	[sflag:s12] =	ssyncset.done $0x0  }
0x48: {  	[sflag:s12] =	ssyncadd.s32 $0xFFFFC000  }
0x49: {  	_ =	swait.ge [sflag:s17], $0x4000  }
0x4a: {  	[sflag:s17] =	ssyncset.done $0x0  }
0x4b: {  	[sflag:s17] =	ssyncadd.s32 $0xFFFFC000  }
0x4c: {  	[tilespmem:s19], [sflag:$0x1] =	stream.indirect.gather [hbm4b:s4+s15], $0x80, s26, s15, $0xb8;
	[tilespmem:$0x1C800] =	vst v63  }
0x4d: {  	_ = 	snop  }
0x4e: {  	[spmem:s2] =	stream.indirect.scatter.add.f32 [tilespmem:s16], [sflag:$0x2], $0x80, s28, s15, $0xb8;
	[tilespmem:$0x1C800] =	vst v63  }
0x4f: {  	_ =	swait.ge [sflag:s12], $0x4000  }
0x50: {  	[sflag:s12] =	ssyncset.done $0x0  }
0x51: {  	[sflag:s12] =	ssyncadd.s32 $0xFFFFC000  }
0x52: {  	_ =	swait.ge [sflag:s17], $0x4000  }
0x53: {  	[sflag:s17] =	ssyncset.done $0x0  }
0x54: {  	[sflag:s17] =	ssyncadd.s32 $0xFFFFC000  }
0x55: {  	[tilespmem:s16], [sflag:$0x1] =	stream.indirect.gather [hbm4b:s4+s15], $0x80, s29, s15, $0xb8;
	[tilespmem:$0x1C800] =	vst v63  }
0x56: {  	_ = 	snop  }
0x57: {  	[spmem:s2] =	stream.indirect.scatter.add.f32 [tilespmem:s19], [sflag:$0x2], $0x80, s30, s15, $0xb8;
	[tilespmem:$0x1C800] =	vst v63  }
0x58: {  	_ =	swait.ge [sflag:s12], $0x4000  }
0x59: {  	[sflag:s12] =	ssyncset.done $0x0  }
0x5a: {  	[sflag:s12] =	ssyncadd.s32 $0xFFFFC000  }
0x5b: {  	_ =	swait.ge [sflag:s17], $0x4000  }
0x5c: {  	[sflag:s17] =	ssyncset.done $0x0  }
0x5d: {  	[sflag:s17] =	ssyncadd.s32 $0xFFFFC000  }
0x5e: {  	[tilespmem:s19], [sflag:$0x1] =	stream.indirect.gather [hbm4b:s4+s15], $0x80, s31, s15, $0xb8;
	[tilespmem:$0x1C800] =	vst v63  }
0x5f: {  	_ = 	snop  }
0x60: {  	[spmem:s2] =	stream.indirect.scatter.add.f32 [tilespmem:s16], [sflag:$0x2], $0x80, s1, s15, $0xb8;
	[tilespmem:$0x1C800] =	vst v63  }
0x61: {  	_ =	swait.ge [sflag:s12], $0x4000  }
0x62: {  	[sflag:s12] =	ssyncset.done $0x0  }
0x63: {  	[sflag:s12] =	ssyncadd.s32 $0xFFFFC000  }
0x64: {  	_ =	swait.ge [sflag:s17], $0x4000  }
0x65: {  	[sflag:s17] =	ssyncset.done $0x0  }
0x66: {  	[sflag:s17] =	ssyncadd.s32 $0xFFFFC000  }
0x67: {  	[spmem:s2] =	stream.indirect.scatter.add.f32 [tilespmem:s19], [sflag:$0x2], $0x80, s0, s15, $0xb8;
	[tilespmem:$0x1C800] =	vst v63  }
0x68: {  	_ =	swait.ge [sflag:s12], $0x4000  }
0x69: {  	s7 =	simm.s32 $0x80;
	s8 =	simm.s32 $0x100;
	[sflag:s12] =	ssyncset.done $0x0  }
.LBB2_2:
0x6a: {  	s11 =	sadd.s32 s7, s9  }
0x6b: {  	[sflag:s12] =	ssyncadd.s32 $0xFFFFC000;
	s5 =	smov.u32 s8;
	s6 =	sadd.s32 $0x80, s8  }
0x6c: {  	[tilespmem:s13], [sflag:$0x2] =	stream.linear.gather [hbm4b:s11+s3], $0x400, $0x38;
	[tilespmem:$0x1C800] =	vst v63  }
0x6d: {  	p0 =	sne.s32 s8, $0x480;
	_ =	swait.ge [sflag:s12], $0x400  }
0x6e: {  	[sflag:s12] =	ssyncset.done $0x0  }
0x6f: {  	s8 =	sadd.s32 s7, s10;
	s7 =	smov.u32 s5;
	[sflag:s12] =	ssyncadd.s32 $0xFFFFFC00  }
0x70: {  	[tilespmem:s14], [sflag:$0x2] =	stream.linear.gather [hbm4b:s8+s3], $0x400, $0x38;
	[tilespmem:$0x1C800] =	vst v63  }
0x71: {  	_ =	swait.ge [sflag:s12], $0x400  }
0x72: {  	[sflag:s12] =	ssyncset.done $0x0  }
0x73: {  	[sflag:s12] =	ssyncadd.s32 $0xFFFFFC00  }
0x74: {  	[tilespmem:s16], [sflag:$0x1] =	stream.indirect.gather [hbm4b:s4+s15], $0x80, s13, s15, $0xb8;
	[tilespmem:$0x1C800] =	vst v63  }
0x75: {  	_ =	swait.ge [sflag:s17], $0x4000  }
0x76: {  	[sflag:s17] =	ssyncset.done $0x0  }
0x77: {  	[sflag:s17] =	ssyncadd.s32 $0xFFFFC000  }
0x78: {  	[tilespmem:s19], [sflag:$0x1] =	stream.indirect.gather [hbm4b:s4+s15], $0x80, s18, s15, $0xb8;
	[tilespmem:$0x1C800] =	vst v63  }
0x79: {  	_ = 	snop  }
0x7a: {  	[spmem:s2] =	stream.indirect.scatter.add.f32 [tilespmem:s16], [sflag:$0x2], $0x80, s14, s15, $0xb8;
	[tilespmem:$0x1C800] =	vst v63  }
0x7b: {  	_ =	swait.ge [sflag:s12], $0x4000  }
0x7c: {  	[sflag:s12] =	ssyncset.done $0x0  }
0x7d: {  	[sflag:s12] =	ssyncadd.s32 $0xFFFFC000  }
0x7e: {  	_ =	swait.ge [sflag:s17], $0x4000  }
0x7f: {  	[sflag:s17] =	ssyncset.done $0x0  }
0x80: {  	[sflag:s17] =	ssyncadd.s32 $0xFFFFC000  }
0x81: {  	[tilespmem:s16], [sflag:$0x1] =	stream.indirect.gather [hbm4b:s4+s15], $0x80, s20, s15, $0xb8;
	[tilespmem:$0x1C800] =	vst v63  }
0x82: {  	_ = 	snop  }
0x83: {  	[spmem:s2] =	stream.indirect.scatter.add.f32 [tilespmem:s19], [sflag:$0x2], $0x80, s21, s15, $0xb8;
	[tilespmem:$0x1C800] =	vst v63  }
0x84: {  	_ =	swait.ge [sflag:s12], $0x4000  }
0x85: {  	[sflag:s12] =	ssyncset.done $0x0  }
0x86: {  	[sflag:s12] =	ssyncadd.s32 $0xFFFFC000  }
0x87: {  	_ =	swait.ge [sflag:s17], $0x4000  }
0x88: {  	[sflag:s17] =	ssyncset.done $0x0  }
0x89: {  	[sflag:s17] =	ssyncadd.s32 $0xFFFFC000  }
0x8a: {  	[tilespmem:s19], [sflag:$0x1] =	stream.indirect.gather [hbm4b:s4+s15], $0x80, s22, s15, $0xb8;
	[tilespmem:$0x1C800] =	vst v63  }
0x8b: {  	_ = 	snop  }
0x8c: {  	[spmem:s2] =	stream.indirect.scatter.add.f32 [tilespmem:s16], [sflag:$0x2], $0x80, s23, s15, $0xb8;
	[tilespmem:$0x1C800] =	vst v63  }
0x8d: {  	_ =	swait.ge [sflag:s12], $0x4000  }
0x8e: {  	[sflag:s12] =	ssyncset.done $0x0  }
0x8f: {  	[sflag:s12] =	ssyncadd.s32 $0xFFFFC000  }
0x90: {  	_ =	swait.ge [sflag:s17], $0x4000  }
0x91: {  	[sflag:s17] =	ssyncset.done $0x0  }
0x92: {  	[sflag:s17] =	ssyncadd.s32 $0xFFFFC000  }
0x93: {  	[tilespmem:s16], [sflag:$0x1] =	stream.indirect.gather [hbm4b:s4+s15], $0x80, s24, s15, $0xb8;
	[tilespmem:$0x1C800] =	vst v63  }
0x94: {  	_ = 	snop  }
0x95: {  	[spmem:s2] =	stream.indirect.scatter.add.f32 [tilespmem:s19], [sflag:$0x2], $0x80, s25, s15, $0xb8;
	[tilespmem:$0x1C800] =	vst v63  }
0x96: {  	_ =	swait.ge [sflag:s12], $0x4000  }
0x97: {  	[sflag:s12] =	ssyncset.done $0x0  }
0x98: {  	[sflag:s12] =	ssyncadd.s32 $0xFFFFC000  }
0x99: {  	_ =	swait.ge [sflag:s17], $0x4000  }
0x9a: {  	[sflag:s17] =	ssyncset.done $0x0  }
0x9b: {  	[sflag:s17] =	ssyncadd.s32 $0xFFFFC000  }
0x9c: {  	[tilespmem:s19], [sflag:$0x1] =	stream.indirect.gather [hbm4b:s4+s15], $0x80, s26, s15, $0xb8;
	[tilespmem:$0x1C800] =	vst v63  }
0x9d: {  	_ = 	snop  }
0x9e: {  	[spmem:s2] =	stream.indirect.scatter.add.f32 [tilespmem:s16], [sflag:$0x2], $0x80, s28, s15, $0xb8;
	[tilespmem:$0x1C800] =	vst v63  }
0x9f: {  	_ =	swait.ge [sflag:s12], $0x4000  }
0xa0: {  	[sflag:s12] =	ssyncset.done $0x0  }
0xa1: {  	[sflag:s12] =	ssyncadd.s32 $0xFFFFC000  }
0xa2: {  	_ =	swait.ge [sflag:s17], $0x4000  }
0xa3: {  	[sflag:s17] =	ssyncset.done $0x0  }
0xa4: {  	[sflag:s17] =	ssyncadd.s32 $0xFFFFC000  }
0xa5: {  	[tilespmem:s16], [sflag:$0x1] =	stream.indirect.gather [hbm4b:s4+s15], $0x80, s29, s15, $0xb8;
	[tilespmem:$0x1C800] =	vst v63  }
0xa6: {  	_ = 	snop  }
0xa7: {  	[spmem:s2] =	stream.indirect.scatter.add.f32 [tilespmem:s19], [sflag:$0x2], $0x80, s30, s15, $0xb8;
	[tilespmem:$0x1C800] =	vst v63  }
0xa8: {  	_ =	swait.ge [sflag:s12], $0x4000  }
0xa9: {  	[sflag:s12] =	ssyncset.done $0x0  }
0xaa: {  	[sflag:s12] =	ssyncadd.s32 $0xFFFFC000  }
0xab: {  	_ =	swait.ge [sflag:s17], $0x4000  }
0xac: {  	[sflag:s17] =	ssyncset.done $0x0  }
0xad: {  	[sflag:s17] =	ssyncadd.s32 $0xFFFFC000  }
0xae: {  	[tilespmem:s19], [sflag:$0x1] =	stream.indirect.gather [hbm4b:s4+s15], $0x80, s31, s15, $0xb8;
	[tilespmem:$0x1C800] =	vst v63  }
0xaf: {  	_ = 	snop  }
0xb0: {  	[spmem:s2] =	stream.indirect.scatter.add.f32 [tilespmem:s16], [sflag:$0x2], $0x80, s1, s15, $0xb8;
	[tilespmem:$0x1C800] =	vst v63  }
0xb1: {  	_ =	swait.ge [sflag:s12], $0x4000  }
0xb2: {  	[sflag:s12] =	ssyncset.done $0x0  }
0xb3: {  	[sflag:s12] =	ssyncadd.s32 $0xFFFFC000  }
0xb4: {  	_ =	swait.ge [sflag:s17], $0x4000  }
.Ltmp0:
0xb5: {  	[sflag:s17] =	ssyncset.done $0x0;
	(pc) =	sbr.rel @p0 .LBB2_2-.Ltmp0, $4  }
0xb6: {  	[sflag:s17] =	ssyncadd.s32 $0xFFFFC000  }
0xb7: {  	[spmem:s2] =	stream.indirect.scatter.add.f32 [tilespmem:s19], [sflag:$0x2], $0x80, s0, s15, $0xb8;
	[tilespmem:$0x1C800] =	vst v63  }
0xb8: {  	_ =	swait.ge [sflag:s12], $0x4000  }
0xb9: {  	s8 =	smov.u32 s6;
	[sflag:s12] =	ssyncset.done $0x0  }
0xba: {  	s5 =	sadd.s32 s7, s9;
	[sflag:s12] =	ssyncadd.s32 $0xFFFFC000  }
0xbb: {  	[tilespmem:s13], [sflag:$0x2] =	stream.linear.gather [hbm4b:s5+s3], $0x400, $0x38;
	[tilespmem:$0x1C800] =	vst v63  }
0xbc: {  	_ =	swait.ge [sflag:s12], $0x400  }
0xbd: {  	[sflag:s12] =	ssyncset.done $0x0  }
0xbe: {  	s8 =	sadd.s32 s7, s10;
	[sflag:s12] =	ssyncadd.s32 $0xFFFFFC00  }
0xbf: {  	[tilespmem:s14], [sflag:$0x2] =	stream.linear.gather [hbm4b:s8+s3], $0x400, $0x38;
	[tilespmem:$0x1C800] =	vst v63  }
0xc0: {  	_ =	swait.ge [sflag:s12], $0x400  }
0xc1: {  	[sflag:s12] =	ssyncset.done $0x0  }
0xc2: {  	[sflag:s12] =	ssyncadd.s32 $0xFFFFFC00  }
0xc3: {  	[tilespmem:s16], [sflag:$0x1] =	stream.indirect.gather [hbm4b:s4+s15], $0x80, s13, s15, $0xb8;
	[tilespmem:$0x1C800] =	vst v63  }
0xc4: {  	_ =	swait.ge [sflag:s17], $0x4000  }
0xc5: {  	[sflag:s17] =	ssyncset.done $0x0  }
0xc6: {  	[sflag:s17] =	ssyncadd.s32 $0xFFFFC000  }
0xc7: {  	[tilespmem:s19], [sflag:$0x1] =	stream.indirect.gather [hbm4b:s4+s15], $0x80, s18, s15, $0xb8;
	[tilespmem:$0x1C800] =	vst v63  }
0xc8: {  	_ = 	snop  }
0xc9: {  	[spmem:s2] =	stream.indirect.scatter.add.f32 [tilespmem:s16], [sflag:$0x2], $0x80, s14, s15, $0xb8;
	[tilespmem:$0x1C800] =	vst v63  }
0xca: {  	_ =	swait.ge [sflag:s12], $0x4000  }
0xcb: {  	[sflag:s12] =	ssyncset.done $0x0  }
0xcc: {  	[sflag:s12] =	ssyncadd.s32 $0xFFFFC000  }
0xcd: {  	_ =	swait.ge [sflag:s17], $0x4000  }
0xce: {  	[sflag:s17] =	ssyncset.done $0x0  }
0xcf: {  	[sflag:s17] =	ssyncadd.s32 $0xFFFFC000  }
0xd0: {  	[tilespmem:s16], [sflag:$0x1] =	stream.indirect.gather [hbm4b:s4+s15], $0x80, s20, s15, $0xb8;
	[tilespmem:$0x1C800] =	vst v63  }
0xd1: {  	_ = 	snop  }
0xd2: {  	[spmem:s2] =	stream.indirect.scatter.add.f32 [tilespmem:s19], [sflag:$0x2], $0x80, s21, s15, $0xb8;
	[tilespmem:$0x1C800] =	vst v63  }
0xd3: {  	_ =	swait.ge [sflag:s12], $0x4000  }
0xd4: {  	[sflag:s12] =	ssyncset.done $0x0  }
0xd5: {  	[sflag:s12] =	ssyncadd.s32 $0xFFFFC000  }
0xd6: {  	_ =	swait.ge [sflag:s17], $0x4000  }
0xd7: {  	[sflag:s17] =	ssyncset.done $0x0  }
0xd8: {  	[sflag:s17] =	ssyncadd.s32 $0xFFFFC000  }
0xd9: {  	[tilespmem:s19], [sflag:$0x1] =	stream.indirect.gather [hbm4b:s4+s15], $0x80, s22, s15, $0xb8;
	[tilespmem:$0x1C800] =	vst v63  }
0xda: {  	_ = 	snop  }
0xdb: {  	[spmem:s2] =	stream.indirect.scatter.add.f32 [tilespmem:s16], [sflag:$0x2], $0x80, s23, s15, $0xb8;
	[tilespmem:$0x1C800] =	vst v63  }
0xdc: {  	_ =	swait.ge [sflag:s12], $0x4000  }
0xdd: {  	[sflag:s12] =	ssyncset.done $0x0  }
0xde: {  	[sflag:s12] =	ssyncadd.s32 $0xFFFFC000  }
0xdf: {  	_ =	swait.ge [sflag:s17], $0x4000  }
0xe0: {  	[sflag:s17] =	ssyncset.done $0x0  }
0xe1: {  	[sflag:s17] =	ssyncadd.s32 $0xFFFFC000  }
0xe2: {  	[tilespmem:s16], [sflag:$0x1] =	stream.indirect.gather [hbm4b:s4+s15], $0x80, s24, s15, $0xb8;
	[tilespmem:$0x1C800] =	vst v63  }
0xe3: {  	_ = 	snop  }
0xe4: {  	[spmem:s2] =	stream.indirect.scatter.add.f32 [tilespmem:s19], [sflag:$0x2], $0x80, s25, s15, $0xb8;
	[tilespmem:$0x1C800] =	vst v63  }
0xe5: {  	_ =	swait.ge [sflag:s12], $0x4000  }
0xe6: {  	[sflag:s12] =	ssyncset.done $0x0  }
0xe7: {  	[sflag:s12] =	ssyncadd.s32 $0xFFFFC000  }
0xe8: {  	_ =	swait.ge [sflag:s17], $0x4000  }
0xe9: {  	[sflag:s17] =	ssyncset.done $0x0  }
0xea: {  	[sflag:s17] =	ssyncadd.s32 $0xFFFFC000  }
0xeb: {  	[tilespmem:s19], [sflag:$0x1] =	stream.indirect.gather [hbm4b:s4+s15], $0x80, s26, s15, $0xb8;
	[tilespmem:$0x1C800] =	vst v63  }
0xec: {  	_ = 	snop  }
0xed: {  	[spmem:s2] =	stream.indirect.scatter.add.f32 [tilespmem:s16], [sflag:$0x2], $0x80, s28, s15, $0xb8;
	[tilespmem:$0x1C800] =	vst v63  }
0xee: {  	_ =	swait.ge [sflag:s12], $0x4000  }
0xef: {  	[sflag:s12] =	ssyncset.done $0x0  }
0xf0: {  	[sflag:s12] =	ssyncadd.s32 $0xFFFFC000  }
0xf1: {  	_ =	swait.ge [sflag:s17], $0x4000  }
0xf2: {  	[sflag:s17] =	ssyncset.done $0x0  }
0xf3: {  	[sflag:s17] =	ssyncadd.s32 $0xFFFFC000  }
0xf4: {  	[tilespmem:s16], [sflag:$0x1] =	stream.indirect.gather [hbm4b:s4+s15], $0x80, s29, s15, $0xb8;
	[tilespmem:$0x1C800] =	vst v63  }
0xf5: {  	_ = 	snop  }
0xf6: {  	[spmem:s2] =	stream.indirect.scatter.add.f32 [tilespmem:s19], [sflag:$0x2], $0x80, s30, s15, $0xb8;
	[tilespmem:$0x1C800] =	vst v63  }
0xf7: {  	_ =	swait.ge [sflag:s12], $0x4000  }
0xf8: {  	[sflag:s12] =	ssyncset.done $0x0  }
0xf9: {  	[sflag:s12] =	ssyncadd.s32 $0xFFFFC000  }
0xfa: {  	_ =	swait.ge [sflag:s17], $0x4000  }
0xfb: {  	[sflag:s17] =	ssyncset.done $0x0  }
0xfc: {  	[sflag:s17] =	ssyncadd.s32 $0xFFFFC000  }
0xfd: {  	[tilespmem:s19], [sflag:$0x1] =	stream.indirect.gather [hbm4b:s4+s15], $0x80, s31, s15, $0xb8;
	[tilespmem:$0x1C800] =	vst v63  }
0xfe: {  	_ = 	snop  }
0xff: {  	[spmem:s2] =	stream.indirect.scatter.add.f32 [tilespmem:s16], [sflag:$0x2], $0x80, s1, s15, $0xb8;
	[tilespmem:$0x1C800] =	vst v63  }
0x100: {  	_ =	swait.ge [sflag:s12], $0x4000  }
0x101: {  	[sflag:s12] =	ssyncset.done $0x0  }
0x102: {  	[sflag:s12] =	ssyncadd.s32 $0xFFFFC000  }
0x103: {  	_ =	swait.ge [sflag:s17], $0x4000  }
0x104: {  	[sflag:s17] =	ssyncset.done $0x0  }
0x105: {  	[sflag:s17] =	ssyncadd.s32 $0xFFFFC000  }
0x106: {  	[spmem:s2] =	stream.indirect.scatter.add.f32 [tilespmem:s19], [sflag:$0x2], $0x80, s0, s15, $0xb8;
	[tilespmem:$0x1C800] =	vst v63  }
0x107: {  	_ =	swait.ge [sflag:s12], $0x4000  }
0x108: {  	[sflag:s12] =	ssyncset.done $0x0  }
0x109: {  	[sflag:s12] =	ssyncadd.s32 $0xFFFFC000  }
0x10a: {  	[bflag:$0x0] =	sbarrier.arrive $0xFFFF  }
0x10b: {  	s8 =	rddreg [dreg:$0x4]  }
0x10c: {  	s11 =	rddreg [dreg:$0x5]  }
0x10d: {  	s6 =	rddreg [dreg:$0x7]  }
0x10e: {  	[hbm:s11], [sflag:s8] =	dma.local [spmem:s6], $0x2800  }
0x10f: {  	_ =	swait.ge [sflag:s12], $0x2800  }
0x110: {  	s5 =	rddreg [dreg:$0x8]  }
0x111: {  	s11 =	rddreg [dreg:$0x6];
	s7 =	sadd.s32 $0x1, s5  }
0x112: {  	p0 =	sne.s32 s7, s11  }
.Ltmp1:
0x113: {  	_ = 	snop;
	(pc) =	sbr.rel @p0 .LBB2_1-.Ltmp1, $3  }
0x114: {  	_ =	sdelay $0x1  }
0x115: {  	[sflag:s12] =	ssyncset.done $0x0  }
0x116: {  	[sflag:s12] =	ssyncadd.s32 $0xFFFFD800  }
0x117: {  	_ =	sfence.sel $0x180000  }
0x118: {  	[bflag:$0x0] =	sbarrier.arrive $0xFFFF  }
0x119: {  	_ =	strace $0x9000004A  }
0x11a: {  	s0 =	stileid.u32;
	[bflag:$0x2] =	sbarrier.arrive $0xFFFF  }
0x11b: {  	p0 =	sne.s32 s0, $0x0;
	s0 =	rddreg [dreg:$0x2]  }
0x11c: {  	s0 =	sadd.s32 @!p0 $0x100000, s0  }
0x11d: {  	[sflag:s0] =	ssyncadd.tile.s32 @!p0 $0x1;
	_ =	shalt  }
.Lfunc_end2:
_tile_overlayer_lowered:
.L_overlay_start_2:
0x11e: {  	(tag) =	ssettag $0x2  }
0x11f: {  	s0 =	rddreg [dreg:$0x0];
	s2 =	stileid.u32  }
0x120: {  	s1 =	rddreg [dreg:$0x1];
	p0 =	sne.s32 s2, $0x0  }
0x121: {  	s3 =	rddreg [dreg:$0x2];
	[bflag:$0x3] =	sbarrier.arrive $0xFFFF;
	s2 =	simm.s32 @!p0 $0x1C02  }
0x122: {  	[timem:s3], [sflag:s2] =	dma.local @!p0 [hbm:s0], s1  }
0x123: {  	s0 =	simm.s32 @!p0 $0x2  }
0x124: {  	_ =	swait.ge @!p0 [sflag:s0], s1  }
0x125: {  	s1 =	ssub.s32 @!p0 $0x0, s1;
	[sflag:s0] =	ssyncset.done @!p0 $0x0  }
0x126: {  	[sflag:s0] =	ssyncadd.s32 @!p0 s1  }
0x127: {  	[bflag:$0x3] =	sbarrier.arrive $0xFFFF  }
0x128: {  	_ =	shalt  }

</sc_bundles>
